<compile_context>
chip_gen: v7x
topology: tpu7x:2x2x1
jax: 0.10.2.dev20260603
libtpu: 0.0.44.dev20260713+nightly
codegen_flags: <defaults>
</compile_context>

<pallas_src>
import functools

import jax
import jax.numpy as jnp
from jax import lax
from jax.experimental import pallas as pl
from jax.experimental.pallas import tpu as pltpu
from jax.experimental.pallas import tpu_sc as plsc

_NC = 2
_NS = 16
_NW = _NC * _NS

_CH = 80


def _mesh():
    return plsc.VectorSubcoreMesh(
        core_axis_name="c", subcore_axis_name="s", num_cores=_NC, num_subcores=_NS
    )


def _part(n):
    step = (n // _NS) & ~7
    size = n - step * (_NS - 1)
    assert size % 8 == 0 and size >= step
    return step, size


def _make_deg_kernel(n, nch):
    step, size = _part(n)

    def body(edge_hbm, zeros_hbm, out_hbm, col_v, ones_v, acc, sems):
        c = lax.axis_index("c")
        s = lax.axis_index("s")
        wid = s * _NC + c
        off = s * step
        pltpu.sync_copy(edge_hbm.at[1, wid], col_v)
        pltpu.sync_copy(
            zeros_hbm.at[pl.ds(off, size)],
            acc.at[pl.ds(off, size)],
        )
        ones16 = jnp.ones((16,), jnp.float32)

        def fill(i, carry):
            ones_v[i] = ones16
            return carry

        lax.fori_loop(0, _CH, fill, 0)
        plsc.subcore_barrier()

        nsem = 8

        def chunk(j, carry):
            p = lax.rem(j, nsem)

            @pl.when(j >= nsem)
            def _():
                pltpu.make_async_copy(
                    ones_v, acc.at[col_v.at[j - nsem]], sems.at[p]
                ).wait()

            pltpu.async_copy(ones_v, acc.at[col_v.at[j]], sems.at[p], add=True)
            return carry

        lax.fori_loop(0, nch, chunk, 0)
        for jj in range(nch - nsem, nch):
            pltpu.make_async_copy(ones_v, acc.at[col_v.at[jj]], sems.at[jj % nsem]).wait()
        plsc.subcore_barrier()
        pltpu.sync_copy(
            acc.at[pl.ds(off, size)],
            out_hbm.at[c, pl.ds(off, size)],
        )

    return pl.kernel(
        body,
        out_type=jax.ShapeDtypeStruct((_NC, n, 16), jnp.float32),
        mesh=_mesh(),
        compiler_params=pltpu.CompilerParams(use_tc_tiling_on_sc=False),
        scratch_types=[
            pltpu.VMEM((nch, _CH), jnp.int32),
            pltpu.VMEM((_CH, 16), jnp.float32),
            pltpu.VMEM_SHARED((n, 16), jnp.float32),
            pltpu.SemaphoreType.DMA((8,)),
        ],
    )


def _make_mp_kernel(n, d, nch):
    step, size = _part(n)

    _NB = 12
    _PF = 6

    def body(
        y_hbm, edge_hbm, zeros_hbm, out_hbm,
        row_v, col_v, buf, acc, gsem, ssem,
    ):
        c = lax.axis_index("c")
        s = lax.axis_index("s")
        wid = s * _NC + c
        off = s * step
        pltpu.sync_copy(edge_hbm.at[0, wid], row_v)
        pltpu.sync_copy(edge_hbm.at[1, wid], col_v)
        pltpu.sync_copy(
            zeros_hbm.at[pl.ds(off, size)],
            acc.at[pl.ds(off, size)],
        )
        plsc.subcore_barrier()

        def gather(j, p):
            return pltpu.async_copy(y_hbm.at[row_v.at[j]], buf.at[p], gsem.at[p])

        def scatter(j, p):
            return pltpu.async_copy(
                buf.at[p], acc.at[col_v.at[j]], ssem.at[p], add=True
            )

        for j in range(_PF):
            gather(j, j)

        def step_fn(j, carry):
            p = lax.rem(j, _NB)
            q = lax.rem(j + _PF, _NB)
            pltpu.make_async_copy(y_hbm.at[row_v.at[j]], buf.at[p], gsem.at[p]).wait()
            scatter(j, p)

            @pl.when(j >= _PF)
            def _():
                jq = j - _PF
                pltpu.make_async_copy(
                    buf.at[q], acc.at[col_v.at[jq]], ssem.at[q]
                ).wait()

            @pl.when(j + _PF < nch)
            def _():
                gather(j + _PF, q)

            return carry

        lax.fori_loop(0, nch, step_fn, 0)
        for jj in range(nch - _PF, nch):
            p = jj % _NB
            pltpu.make_async_copy(buf.at[p], acc.at[col_v.at[jj]], ssem.at[p]).wait()
        plsc.subcore_barrier()
        pltpu.sync_copy(
            acc.at[pl.ds(off, size)],
            out_hbm.at[c, pl.ds(off, size)],
        )

    return pl.kernel(
        body,
        out_type=jax.ShapeDtypeStruct((_NC, n, d), jnp.float32),
        mesh=_mesh(),
        compiler_params=pltpu.CompilerParams(use_tc_tiling_on_sc=False),
        scratch_types=[
            pltpu.VMEM((nch, _CH), jnp.int32),
            pltpu.VMEM((nch, _CH), jnp.int32),
            pltpu.VMEM((_NB, _CH, d), jnp.float32),
            pltpu.VMEM_SHARED((n, d), jnp.float32),
            pltpu.SemaphoreType.DMA((_NB,)),
            pltpu.SemaphoreType.DMA((_NB,)),
        ],
    )


def _tc1a_body(x_ref, w1_ref, xw_ref):
    xw_ref[...] = jnp.dot(x_ref[...], w1_ref[...], preferred_element_type=jnp.float32)


def _tc1b_body(xw_ref, degp_ref, dinv_ref, y1_ref):
    deg = degp_ref[0, :, 0] + degp_ref[1, :, 0] + 1.0
    dinv = lax.rsqrt(deg)[:, None]
    dinv_ref[...] = dinv
    y1_ref[...] = dinv * xw_ref[...]


def _tc2_body(t1_ref, y1_ref, dinv_ref, b1_ref, w2_ref, y2_ref):
    dinv = dinv_ref[...]
    h1 = jax.nn.relu(dinv * (t1_ref[0] + t1_ref[1] + y1_ref[...]) + b1_ref[...])
    y2_ref[...] = dinv * jnp.dot(h1, w2_ref[...], preferred_element_type=jnp.float32)


def _tc3_body(t2_ref, y2_ref, dinv_ref, b2_ref, batch_ref, out_ref, *, g):
    dinv = dinv_ref[...]
    h2 = jax.nn.relu(dinv * (t2_ref[0] + t2_ref[1] + y2_ref[...]) + b2_ref[...])
    n = h2.shape[0]
    seg = lax.broadcasted_iota(jnp.int32, (g, n), 0)
    mask = (seg == batch_ref[...]).astype(jnp.float32)
    sums = jnp.dot(mask, h2, preferred_element_type=jnp.float32)
    cnt = jnp.sum(mask, axis=1, keepdims=True)
    out_ref[...] = sums / jnp.maximum(cnt, 1.0)


def kernel(x, edge_index, batch, W1, b1, W2, b2):
    n, _ = x.shape
    e = edge_index.shape[1]
    d = W1.shape[1]
    g = 64

    ew = e // _NW
    nch = ew // _CH
    er = edge_index.reshape(2, _NW, nch, _CH)

    z16 = jnp.zeros((n, 16), jnp.float32)
    zd = jnp.zeros((n, d), jnp.float32)

    degp = _make_deg_kernel(n, nch)(er, z16)

    xw = pl.pallas_call(
        _tc1a_body,
        out_shape=jax.ShapeDtypeStruct((n, d), jnp.float32),
    )(x, W1)

    dinv, y1 = pl.pallas_call(
        _tc1b_body,
        out_shape=[
            jax.ShapeDtypeStruct((n, 1), jnp.float32),
            jax.ShapeDtypeStruct((n, d), jnp.float32),
        ],
    )(xw, degp)

    mp = _make_mp_kernel(n, d, nch)
    t1 = mp(y1, er, zd)

    y2 = pl.pallas_call(
        _tc2_body,
        out_shape=jax.ShapeDtypeStruct((n, d), jnp.float32),
    )(t1, y1, dinv, b1.reshape(1, d), W2)

    t2 = mp(y2, er, zd)

    out = pl.pallas_call(
        functools.partial(_tc3_body, g=g),
        out_shape=jax.ShapeDtypeStruct((g, d), jnp.float32),
    )(t2, y2, dinv, b2.reshape(1, d), batch.reshape(1, n).astype(jnp.int32))
    return out

# --- scband reference (transcript-rebuilt; emitter-appended) ---
"""Pipeline reference for scband-gcnbackbone-64321430225634 (READ-ONLY COPY).

The authoritative reference and input builder live on the scoring server;
editing this copy changes nothing except your own understanding.
"""

import jax, jax.numpy as jnp
import numpy as np

N = 10000
E = 320000
D_IN = 128
D_H = 64
G = 64


def gcn_conv(x, edge_index, W, b):
    # PyG GCNConv: add self-loops, symmetric normalization, then propagate.
    n = x.shape[0]
    xw = x @ W
    loop = jnp.arange(n, dtype=edge_index.dtype)
    row = jnp.concatenate([edge_index[0], loop])  # source nodes
    col = jnp.concatenate([edge_index[1], loop])  # target nodes
    deg = jnp.zeros((n,), dtype=xw.dtype).at[col].add(1.0)
    dinv = jnp.where(deg > 0, jax.lax.rsqrt(deg), 0.0)
    norm = dinv[row] * dinv[col]
    msg = jnp.take(xw, row, axis=0) * norm[:, None]
    out = jnp.zeros_like(xw).at[col].add(msg)
    return out + b


def setup_inputs(seed: int = 0) -> dict:
    key = jax.random.key(seed)
    ks = jax.random.split(key, 8)
    x = jax.random.normal(ks[0], (N, D_IN), dtype=jnp.float32)
    edge_index = jax.random.randint(ks[1], (2, E), 0, N)
    batch = jnp.sort(jax.random.randint(ks[2], (N,), 0, G))
    W1 = jax.random.normal(ks[3], (D_IN, D_H), dtype=jnp.float32) * (1.0 / np.sqrt(D_IN))
    b1 = jnp.zeros((D_H,), dtype=jnp.float32)
    W2 = jax.random.normal(ks[4], (D_H, D_H), dtype=jnp.float32) * (1.0 / np.sqrt(D_H))
    b2 = jnp.zeros((D_H,), dtype=jnp.float32)
    return {"x": x, "edge_index": edge_index, "batch": batch, "W1": W1, "b1": b1, "W2": W2, "b2": b2}


def reference(x, edge_index, batch, W1, b1, W2, b2):
    h = jax.nn.relu(gcn_conv(x, edge_index, W1, b1))
    h = jax.nn.relu(gcn_conv(h, edge_index, W2, b2))
    sums = jax.ops.segment_sum(h, batch, num_segments=G)
    cnt = jax.ops.segment_sum(jnp.ones((h.shape[0],), dtype=h.dtype), batch, num_segments=G)
    g = sums / jnp.clip(cnt, 1.0)[:, None]
    return g

if __name__ == "__main__":
    import jax
    _d = setup_inputs()
    print(jax.jit(kernel)(*tuple(_d.values())))

</pallas_src>

<mosaic_0001>
#map = affine_map<(d0, d1) -> (0, 0, 0, 0)>
#map1 = affine_map<(d0, d1) -> (0, 0)>
#map2 = affine_map<(d0, d1) -> (0, 0, 0)>
module attributes {stable_mosaic.version = 14 : i64} {
  func.func @body(%arg0: i32, %arg1: i32, %arg2: memref<2x32x125x80xi32, #tpu.memory_space<hbm>>, %arg3: memref<10000x16xf32, #tpu.memory_space<hbm>>, %arg4: memref<2x10000x16xf32, #tpu.memory_space<hbm>>, %arg5: memref<125x80xi32, #tpu.memory_space<vmem>>, %arg6: memref<80x16xf32, #tpu.memory_space<vmem>>, %arg7: memref<10000x16xf32, #tpu.memory_space<vmem_shared>>, %arg8: memref<8x!tpu.dma_semaphore, #tpu.memory_space<semaphore_mem>>) attributes {dimension_semantics = [#tpu.dimension_semantics<core_parallel>, #tpu.dimension_semantics<subcore_parallel>], iteration_bounds = array<i64: 2, 16>, scalar_prefetch = 0 : i64, scratch_operands = 4 : i64, tpu.core_type = #tpu.core_type<sc_vector_subcore>, window_params = [{transform_indices = #map}, {transform_indices = #map1}, {transform_indices = #map2}]} {
    %mul3A = arith.constant 2 : i32
    %mul3A_0 = arith.muli %arg1, %mul3A : i32
    %add3A = arith.addi %mul3A_0, %arg0 : i32
    %mul3A_1 = arith.constant 624 : i32
    %mul3A_2 = arith.muli %arg1, %mul3A_1 : i32
    %run_scoped3A = arith.constant 1 : i32
    "tpu.region"() ({
      %run_scoped3A_95 = tpu.sem_alloc : memref<!tpu.dma_semaphore, #tpu.memory_space<semaphore_mem>>
      %dma_start3A = arith.constant 0 : i32
      %dma_start3A_96 = arith.constant 0 : i32
      %dma_start3A_97 = tpu.memref_slice %arg2[%run_scoped3A, %add3A, %dma_start3A, %dma_start3A_96] : memref<2x32x125x80xi32, #tpu.memory_space<hbm>> -> memref<1x1x125x80xi32, #tpu.memory_space<hbm>>
      %dma_start3A_98 = tpu.memref_squeeze %dma_start3A_97 : memref<1x1x125x80xi32, #tpu.memory_space<hbm>> -> memref<125x80xi32, #tpu.memory_space<hbm>>
      %dma_start3A_99 = arith.constant 0 : i32
      %dma_start3A_100 = arith.constant 0 : i32
      %dma_start3A_101 = tpu.memref_slice %arg2[%run_scoped3A, %add3A, %dma_start3A_99, %dma_start3A_100] : memref<2x32x125x80xi32, #tpu.memory_space<hbm>> -> memref<1x1x125x80xi32, #tpu.memory_space<hbm>>
      %dma_start3A_102 = tpu.memref_squeeze %dma_start3A_101 : memref<1x1x125x80xi32, #tpu.memory_space<hbm>> -> memref<125x80xi32, #tpu.memory_space<hbm>>
      tpu.enqueue_dma source(%dma_start3A_102 : memref<125x80xi32, #tpu.memory_space<hbm>>) target(%arg5 : memref<125x80xi32, #tpu.memory_space<vmem>>) target_semaphore(%run_scoped3A_95 : memref<!tpu.dma_semaphore, #tpu.memory_space<semaphore_mem>>)
      %dma_wait3A_103 = arith.constant 0 : i32
      %dma_wait3A_104 = arith.constant 0 : i32
      %dma_wait3A_105 = tpu.memref_slice %arg2[%run_scoped3A, %add3A, %dma_wait3A_103, %dma_wait3A_104] : memref<2x32x125x80xi32, #tpu.memory_space<hbm>> -> memref<1x1x125x80xi32, #tpu.memory_space<hbm>>
      %dma_wait3A_106 = tpu.memref_squeeze %dma_wait3A_105 : memref<1x1x125x80xi32, #tpu.memory_space<hbm>> -> memref<125x80xi32, #tpu.memory_space<hbm>>
      %dma_wait3A_107 = arith.constant 0 : i32
      %dma_wait3A_108 = arith.constant 0 : i32
      %dma_wait3A_109 = tpu.memref_slice %arg2[%run_scoped3A, %add3A, %dma_wait3A_107, %dma_wait3A_108] : memref<2x32x125x80xi32, #tpu.memory_space<hbm>> -> memref<1x1x125x80xi32, #tpu.memory_space<hbm>>
      %dma_wait3A_110 = tpu.memref_squeeze %dma_wait3A_109 : memref<1x1x125x80xi32, #tpu.memory_space<hbm>> -> memref<125x80xi32, #tpu.memory_space<hbm>>
      tpu.wait_dma2 semaphore(%run_scoped3A_95 : memref<!tpu.dma_semaphore, #tpu.memory_space<semaphore_mem>>) src(%dma_wait3A_110 : memref<125x80xi32, #tpu.memory_space<hbm>>) dst(%arg5 : memref<125x80xi32, #tpu.memory_space<vmem>>)
      tpu.yield
    }) : () -> ()
    "tpu.region"() ({
      %run_scoped3A_95 = tpu.sem_alloc : memref<!tpu.dma_semaphore, #tpu.memory_space<semaphore_mem>>
      %dma_start3A = arith.constant 0 : i32
      %dma_start3A_96 = tpu.memref_slice %arg7[%mul3A_2, %dma_start3A] : memref<10000x16xf32, #tpu.memory_space<vmem_shared>> -> memref<640x16xf32, #tpu.memory_space<vmem_shared>>
      %dma_start3A_97 = arith.constant 0 : i32
      %dma_start3A_98 = tpu.memref_slice %arg3[%mul3A_2, %dma_start3A_97] : memref<10000x16xf32, #tpu.memory_space<hbm>> -> memref<640x16xf32, #tpu.memory_space<hbm>>
      tpu.enqueue_dma source(%dma_start3A_98 : memref<640x16xf32, #tpu.memory_space<hbm>>) target(%dma_start3A_96 : memref<640x16xf32, #tpu.memory_space<vmem_shared>>) target_semaphore(%run_scoped3A_95 : memref<!tpu.dma_semaphore, #tpu.memory_space<semaphore_mem>>)
      %dma_wait3A_99 = arith.constant 0 : i32
      %dma_wait3A_100 = tpu.memref_slice %arg7[%mul3A_2, %dma_wait3A_99] : memref<10000x16xf32, #tpu.memory_space<vmem_shared>> -> memref<640x16xf32, #tpu.memory_space<vmem_shared>>
      %dma_wait3A_101 = arith.constant 0 : i32
      %dma_wait3A_102 = tpu.memref_slice %arg3[%mul3A_2, %dma_wait3A_101] : memref<10000x16xf32, #tpu.memory_space<hbm>> -> memref<640x16xf32, #tpu.memory_space<hbm>>
      tpu.wait_dma2 semaphore(%run_scoped3A_95 : memref<!tpu.dma_semaphore, #tpu.memory_space<semaphore_mem>>) src(%dma_wait3A_102 : memref<640x16xf32, #tpu.memory_space<hbm>>) dst(%dma_wait3A_100 : memref<640x16xf32, #tpu.memory_space<vmem_shared>>)
      tpu.yield
    }) : () -> ()
    %broadcast_in_dim3A = arith.constant 1.000000e+00 : f32
    %broadcast_in_dim3A_3 = vector.broadcast %broadcast_in_dim3A : f32 to vector<16xf32>
    %scan3A = arith.constant 0 : i32
    %scan3A_4 = arith.constant 0 : i32
    %scan3A_5 = arith.constant 80 : i32
    %scan3A_6 = arith.addi %scan3A_4, %scan3A_5 : i32
    %scan3A_7 = arith.constant 1 : i32
    scf.for %scan3A_95 = %scan3A_4 to %scan3A_6 step %scan3A_7  : i32 {
      %swap3A = arith.index_cast %scan3A_95 : i32 to index
      %swap3A_96 = arith.constant 0 : index
      %swap3A_97 = tpu.vector_load %arg6[%swap3A, %swap3A_96] {strides = array<i32>} : memref<80x16xf32, #tpu.memory_space<vmem>>, vector<1x16xf32>,
      %swap3A_98 = vector.shape_cast %swap3A_97 : vector<1x16xf32> to vector<16xf32>
      %swap3A_99 = vector.shape_cast %broadcast_in_dim3A_3 : vector<16xf32> to vector<1x16xf32>
      tpu.vector_store %arg6[%swap3A, %swap3A_96], %swap3A_99 {strides = array<i32>} : memref<80x16xf32, #tpu.memory_space<vmem>>, vector<1x16xf32>,
    }
    %scan3A_8 = arith.constant 80 : i32
    %barrier3A = arith.constant 0 : index
    tpu.barrier barrier_id(%barrier3A)
    %scan3A_9 = arith.constant 0 : i32
    %scan3A_10 = arith.constant 0 : i32
    %scan3A_11 = arith.constant 125 : i32
    %scan3A_12 = arith.addi %scan3A_10, %scan3A_11 : i32
    %scan3A_13 = arith.constant 1 : i32
    scf.for %scan3A_95 = %scan3A_10 to %scan3A_12 step %scan3A_13  : i32 {
      %rem3A = arith.constant 8 : i32
      %rem3A_96 = arith.remsi %scan3A_95, %rem3A : i32
      %ge3A = arith.constant 8 : i32
      %ge3A_97 = arith.cmpi sge, %scan3A_95, %ge3A : i32
      %convert_element_type3A = arith.extui %ge3A_97 : i1 to i32
      %cond3A = arith.constant 0 : i32
      %cond3A_98 = arith.cmpi ne, %convert_element_type3A, %cond3A : i32
      scf.if %cond3A_98 {
        %sub3A = arith.constant 8 : i32
        %sub3A_106 = arith.subi %scan3A_95, %sub3A : i32
        %dma_wait3A_107 = arith.constant 0 : i32
        %dma_wait3A_108 = tpu.memref_slice %arg5[%sub3A_106, %dma_wait3A_107] : memref<125x80xi32, #tpu.memory_space<vmem>> -> memref<1x80xi32, #tpu.memory_space<vmem>>
        %dma_wait3A_109 = tpu.memref_squeeze %dma_wait3A_108 : memref<1x80xi32, #tpu.memory_space<vmem>> -> memref<80xi32, #tpu.memory_space<vmem>>
        %dma_wait3A_110 = arith.constant 0 : i32
        %dma_wait3A_111 = arith.constant 0 : i32
        %dma_wait3A_112 = tpu.memref_slice %arg7[%dma_wait3A_110, %dma_wait3A_111] : memref<10000x16xf32, #tpu.memory_space<vmem_shared>> -> memref<10000x16xf32, #tpu.memory_space<vmem_shared>>
        %dma_wait3A_113 = tpu.memref_slice %arg8[%rem3A_96] : memref<8x!tpu.dma_semaphore, #tpu.memory_space<semaphore_mem>> -> memref<1x!tpu.dma_semaphore, #tpu.memory_space<semaphore_mem>>
        %dma_wait3A_114 = tpu.memref_squeeze %dma_wait3A_113 : memref<1x!tpu.dma_semaphore, #tpu.memory_space<semaphore_mem>> -> memref<!tpu.dma_semaphore, #tpu.memory_space<semaphore_mem>>
        tpu.wait_indirect_dma semaphore(%dma_wait3A_114 : memref<!tpu.dma_semaphore, #tpu.memory_space<semaphore_mem>>) src(%arg6 : memref<80x16xf32, #tpu.memory_space<vmem>>) dst(%dma_wait3A_112 : memref<10000x16xf32, #tpu.memory_space<vmem_shared>>)
      } else {
      }
      %dma_start3A = arith.constant 0 : i32
      %dma_start3A_99 = tpu.memref_slice %arg5[%scan3A_95, %dma_start3A] : memref<125x80xi32, #tpu.memory_space<vmem>> -> memref<1x80xi32, #tpu.memory_space<vmem>>
      %dma_start3A_100 = tpu.memref_squeeze %dma_start3A_99 : memref<1x80xi32, #tpu.memory_space<vmem>> -> memref<80xi32, #tpu.memory_space<vmem>>
      %dma_start3A_101 = arith.constant 0 : i32
      %dma_start3A_102 = arith.constant 0 : i32
      %dma_start3A_103 = tpu.memref_slice %arg7[%dma_start3A_101, %dma_start3A_102] : memref<10000x16xf32, #tpu.memory_space<vmem_shared>> -> memref<10000x16xf32, #tpu.memory_space<vmem_shared>>
      %dma_start3A_104 = tpu.memref_slice %arg8[%rem3A_96] : memref<8x!tpu.dma_semaphore, #tpu.memory_space<semaphore_mem>> -> memref<1x!tpu.dma_semaphore, #tpu.memory_space<semaphore_mem>>
      %dma_start3A_105 = tpu.memref_squeeze %dma_start3A_104 : memref<1x!tpu.dma_semaphore, #tpu.memory_space<semaphore_mem>> -> memref<!tpu.dma_semaphore, #tpu.memory_space<semaphore_mem>>
      tpu.enqueue_indirect_dma source(%arg6 : memref<80x16xf32, #tpu.memory_space<vmem>>) target(%dma_start3A_103 : memref<10000x16xf32, #tpu.memory_space<vmem_shared>>) offsets(%dma_start3A_100 : memref<80xi32, #tpu.memory_space<vmem>>) semaphore(%dma_start3A_105 : memref<!tpu.dma_semaphore, #tpu.memory_space<semaphore_mem>>) {add = true}
    }
    %scan3A_14 = arith.constant 125 : i32
    %dma_wait3A = arith.constant 117 : i32
    %dma_wait3A_15 = arith.constant 5 : i32
    %dma_wait3A_16 = arith.constant 0 : i32
    %dma_wait3A_17 = tpu.memref_slice %arg5[%dma_wait3A, %dma_wait3A_16] : memref<125x80xi32, #tpu.memory_space<vmem>> -> memref<1x80xi32, #tpu.memory_space<vmem>>
    %dma_wait3A_18 = tpu.memref_squeeze %dma_wait3A_17 : memref<1x80xi32, #tpu.memory_space<vmem>> -> memref<80xi32, #tpu.memory_space<vmem>>
    %dma_wait3A_19 = arith.constant 0 : i32
    %dma_wait3A_20 = arith.constant 0 : i32
    %dma_wait3A_21 = tpu.memref_slice %arg7[%dma_wait3A_19, %dma_wait3A_20] : memref<10000x16xf32, #tpu.memory_space<vmem_shared>> -> memref<10000x16xf32, #tpu.memory_space<vmem_shared>>
    %dma_wait3A_22 = tpu.memref_slice %arg8[%dma_wait3A_15] : memref<8x!tpu.dma_semaphore, #tpu.memory_space<semaphore_mem>> -> memref<1x!tpu.dma_semaphore, #tpu.memory_space<semaphore_mem>>
    %dma_wait3A_23 = tpu.memref_squeeze %dma_wait3A_22 : memref<1x!tpu.dma_semaphore, #tpu.memory_space<semaphore_mem>> -> memref<!tpu.dma_semaphore, #tpu.memory_space<semaphore_mem>>
    tpu.wait_indirect_dma semaphore(%dma_wait3A_23 : memref<!tpu.dma_semaphore, #tpu.memory_space<semaphore_mem>>) src(%arg6 : memref<80x16xf32, #tpu.memory_space<vmem>>) dst(%dma_wait3A_21 : memref<10000x16xf32, #tpu.memory_space<vmem_shared>>)
    %dma_wait3A_24 = arith.constant 118 : i32
    %dma_wait3A_25 = arith.constant 6 : i32
    %dma_wait3A_26 = arith.constant 0 : i32
    %dma_wait3A_27 = tpu.memref_slice %arg5[%dma_wait3A_24, %dma_wait3A_26] : memref<125x80xi32, #tpu.memory_space<vmem>> -> memref<1x80xi32, #tpu.memory_space<vmem>>
    %dma_wait3A_28 = tpu.memref_squeeze %dma_wait3A_27 : memref<1x80xi32, #tpu.memory_space<vmem>> -> memref<80xi32, #tpu.memory_space<vmem>>
    %dma_wait3A_29 = arith.constant 0 : i32
    %dma_wait3A_30 = arith.constant 0 : i32
    %dma_wait3A_31 = tpu.memref_slice %arg7[%dma_wait3A_29, %dma_wait3A_30] : memref<10000x16xf32, #tpu.memory_space<vmem_shared>> -> memref<10000x16xf32, #tpu.memory_space<vmem_shared>>
    %dma_wait3A_32 = tpu.memref_slice %arg8[%dma_wait3A_25] : memref<8x!tpu.dma_semaphore, #tpu.memory_space<semaphore_mem>> -> memref<1x!tpu.dma_semaphore, #tpu.memory_space<semaphore_mem>>
    %dma_wait3A_33 = tpu.memref_squeeze %dma_wait3A_32 : memref<1x!tpu.dma_semaphore, #tpu.memory_space<semaphore_mem>> -> memref<!tpu.dma_semaphore, #tpu.memory_space<semaphore_mem>>
    tpu.wait_indirect_dma semaphore(%dma_wait3A_33 : memref<!tpu.dma_semaphore, #tpu.memory_space<semaphore_mem>>) src(%arg6 : memref<80x16xf32, #tpu.memory_space<vmem>>) dst(%dma_wait3A_31 : memref<10000x16xf32, #tpu.memory_space<vmem_shared>>)
    %dma_wait3A_34 = arith.constant 119 : i32
    %dma_wait3A_35 = arith.constant 7 : i32
    %dma_wait3A_36 = arith.constant 0 : i32
    %dma_wait3A_37 = tpu.memref_slice %arg5[%dma_wait3A_34, %dma_wait3A_36] : memref<125x80xi32, #tpu.memory_space<vmem>> -> memref<1x80xi32, #tpu.memory_space<vmem>>
    %dma_wait3A_38 = tpu.memref_squeeze %dma_wait3A_37 : memref<1x80xi32, #tpu.memory_space<vmem>> -> memref<80xi32, #tpu.memory_space<vmem>>
    %dma_wait3A_39 = arith.constant 0 : i32
    %dma_wait3A_40 = arith.constant 0 : i32
    %dma_wait3A_41 = tpu.memref_slice %arg7[%dma_wait3A_39, %dma_wait3A_40] : memref<10000x16xf32, #tpu.memory_space<vmem_shared>> -> memref<10000x16xf32, #tpu.memory_space<vmem_shared>>
    %dma_wait3A_42 = tpu.memref_slice %arg8[%dma_wait3A_35] : memref<8x!tpu.dma_semaphore, #tpu.memory_space<semaphore_mem>> -> memref<1x!tpu.dma_semaphore, #tpu.memory_space<semaphore_mem>>
    %dma_wait3A_43 = tpu.memref_squeeze %dma_wait3A_42 : memref<1x!tpu.dma_semaphore, #tpu.memory_space<semaphore_mem>> -> memref<!tpu.dma_semaphore, #tpu.memory_space<semaphore_mem>>
    tpu.wait_indirect_dma semaphore(%dma_wait3A_43 : memref<!tpu.dma_semaphore, #tpu.memory_space<semaphore_mem>>) src(%arg6 : memref<80x16xf32, #tpu.memory_space<vmem>>) dst(%dma_wait3A_41 : memref<10000x16xf32, #tpu.memory_space<vmem_shared>>)
    %dma_wait3A_44 = arith.constant 120 : i32
    %dma_wait3A_45 = arith.constant 0 : i32
    %dma_wait3A_46 = arith.constant 0 : i32
    %dma_wait3A_47 = tpu.memref_slice %arg5[%dma_wait3A_44, %dma_wait3A_46] : memref<125x80xi32, #tpu.memory_space<vmem>> -> memref<1x80xi32, #tpu.memory_space<vmem>>
    %dma_wait3A_48 = tpu.memref_squeeze %dma_wait3A_47 : memref<1x80xi32, #tpu.memory_space<vmem>> -> memref<80xi32, #tpu.memory_space<vmem>>
    %dma_wait3A_49 = arith.constant 0 : i32
    %dma_wait3A_50 = arith.constant 0 : i32
    %dma_wait3A_51 = tpu.memref_slice %arg7[%dma_wait3A_49, %dma_wait3A_50] : memref<10000x16xf32, #tpu.memory_space<vmem_shared>> -> memref<10000x16xf32, #tpu.memory_space<vmem_shared>>
    %dma_wait3A_52 = tpu.memref_slice %arg8[%dma_wait3A_45] : memref<8x!tpu.dma_semaphore, #tpu.memory_space<semaphore_mem>> -> memref<1x!tpu.dma_semaphore, #tpu.memory_space<semaphore_mem>>
    %dma_wait3A_53 = tpu.memref_squeeze %dma_wait3A_52 : memref<1x!tpu.dma_semaphore, #tpu.memory_space<semaphore_mem>> -> memref<!tpu.dma_semaphore, #tpu.memory_space<semaphore_mem>>
    tpu.wait_indirect_dma semaphore(%dma_wait3A_53 : memref<!tpu.dma_semaphore, #tpu.memory_space<semaphore_mem>>) src(%arg6 : memref<80x16xf32, #tpu.memory_space<vmem>>) dst(%dma_wait3A_51 : memref<10000x16xf32, #tpu.memory_space<vmem_shared>>)
    %dma_wait3A_54 = arith.constant 121 : i32
    %dma_wait3A_55 = arith.constant 1 : i32
    %dma_wait3A_56 = arith.constant 0 : i32
    %dma_wait3A_57 = tpu.memref_slice %arg5[%dma_wait3A_54, %dma_wait3A_56] : memref<125x80xi32, #tpu.memory_space<vmem>> -> memref<1x80xi32, #tpu.memory_space<vmem>>
    %dma_wait3A_58 = tpu.memref_squeeze %dma_wait3A_57 : memref<1x80xi32, #tpu.memory_space<vmem>> -> memref<80xi32, #tpu.memory_space<vmem>>
    %dma_wait3A_59 = arith.constant 0 : i32
    %dma_wait3A_60 = arith.constant 0 : i32
    %dma_wait3A_61 = tpu.memref_slice %arg7[%dma_wait3A_59, %dma_wait3A_60] : memref<10000x16xf32, #tpu.memory_space<vmem_shared>> -> memref<10000x16xf32, #tpu.memory_space<vmem_shared>>
    %dma_wait3A_62 = tpu.memref_slice %arg8[%dma_wait3A_55] : memref<8x!tpu.dma_semaphore, #tpu.memory_space<semaphore_mem>> -> memref<1x!tpu.dma_semaphore, #tpu.memory_space<semaphore_mem>>
    %dma_wait3A_63 = tpu.memref_squeeze %dma_wait3A_62 : memref<1x!tpu.dma_semaphore, #tpu.memory_space<semaphore_mem>> -> memref<!tpu.dma_semaphore, #tpu.memory_space<semaphore_mem>>
    tpu.wait_indirect_dma semaphore(%dma_wait3A_63 : memref<!tpu.dma_semaphore, #tpu.memory_space<semaphore_mem>>) src(%arg6 : memref<80x16xf32, #tpu.memory_space<vmem>>) dst(%dma_wait3A_61 : memref<10000x16xf32, #tpu.memory_space<vmem_shared>>)
    %dma_wait3A_64 = arith.constant 122 : i32
    %dma_wait3A_65 = arith.constant 2 : i32
    %dma_wait3A_66 = arith.constant 0 : i32
    %dma_wait3A_67 = tpu.memref_slice %arg5[%dma_wait3A_64, %dma_wait3A_66] : memref<125x80xi32, #tpu.memory_space<vmem>> -> memref<1x80xi32, #tpu.memory_space<vmem>>
    %dma_wait3A_68 = tpu.memref_squeeze %dma_wait3A_67 : memref<1x80xi32, #tpu.memory_space<vmem>> -> memref<80xi32, #tpu.memory_space<vmem>>
    %dma_wait3A_69 = arith.constant 0 : i32
    %dma_wait3A_70 = arith.constant 0 : i32
    %dma_wait3A_71 = tpu.memref_slice %arg7[%dma_wait3A_69, %dma_wait3A_70] : memref<10000x16xf32, #tpu.memory_space<vmem_shared>> -> memref<10000x16xf32, #tpu.memory_space<vmem_shared>>
    %dma_wait3A_72 = tpu.memref_slice %arg8[%dma_wait3A_65] : memref<8x!tpu.dma_semaphore, #tpu.memory_space<semaphore_mem>> -> memref<1x!tpu.dma_semaphore, #tpu.memory_space<semaphore_mem>>
    %dma_wait3A_73 = tpu.memref_squeeze %dma_wait3A_72 : memref<1x!tpu.dma_semaphore, #tpu.memory_space<semaphore_mem>> -> memref<!tpu.dma_semaphore, #tpu.memory_space<semaphore_mem>>
    tpu.wait_indirect_dma semaphore(%dma_wait3A_73 : memref<!tpu.dma_semaphore, #tpu.memory_space<semaphore_mem>>) src(%arg6 : memref<80x16xf32, #tpu.memory_space<vmem>>) dst(%dma_wait3A_71 : memref<10000x16xf32, #tpu.memory_space<vmem_shared>>)
    %dma_wait3A_74 = arith.constant 123 : i32
    %dma_wait3A_75 = arith.constant 3 : i32
    %dma_wait3A_76 = arith.constant 0 : i32
    %dma_wait3A_77 = tpu.memref_slice %arg5[%dma_wait3A_74, %dma_wait3A_76] : memref<125x80xi32, #tpu.memory_space<vmem>> -> memref<1x80xi32, #tpu.memory_space<vmem>>
    %dma_wait3A_78 = tpu.memref_squeeze %dma_wait3A_77 : memref<1x80xi32, #tpu.memory_space<vmem>> -> memref<80xi32, #tpu.memory_space<vmem>>
    %dma_wait3A_79 = arith.constant 0 : i32
    %dma_wait3A_80 = arith.constant 0 : i32
    %dma_wait3A_81 = tpu.memref_slice %arg7[%dma_wait3A_79, %dma_wait3A_80] : memref<10000x16xf32, #tpu.memory_space<vmem_shared>> -> memref<10000x16xf32, #tpu.memory_space<vmem_shared>>
    %dma_wait3A_82 = tpu.memref_slice %arg8[%dma_wait3A_75] : memref<8x!tpu.dma_semaphore, #tpu.memory_space<semaphore_mem>> -> memref<1x!tpu.dma_semaphore, #tpu.memory_space<semaphore_mem>>
    %dma_wait3A_83 = tpu.memref_squeeze %dma_wait3A_82 : memref<1x!tpu.dma_semaphore, #tpu.memory_space<semaphore_mem>> -> memref<!tpu.dma_semaphore, #tpu.memory_space<semaphore_mem>>
    tpu.wait_indirect_dma semaphore(%dma_wait3A_83 : memref<!tpu.dma_semaphore, #tpu.memory_space<semaphore_mem>>) src(%arg6 : memref<80x16xf32, #tpu.memory_space<vmem>>) dst(%dma_wait3A_81 : memref<10000x16xf32, #tpu.memory_space<vmem_shared>>)
    %dma_wait3A_84 = arith.constant 124 : i32
    %dma_wait3A_85 = arith.constant 4 : i32
    %dma_wait3A_86 = arith.constant 0 : i32
    %dma_wait3A_87 = tpu.memref_slice %arg5[%dma_wait3A_84, %dma_wait3A_86] : memref<125x80xi32, #tpu.memory_space<vmem>> -> memref<1x80xi32, #tpu.memory_space<vmem>>
    %dma_wait3A_88 = tpu.memref_squeeze %dma_wait3A_87 : memref<1x80xi32, #tpu.memory_space<vmem>> -> memref<80xi32, #tpu.memory_space<vmem>>
    %dma_wait3A_89 = arith.constant 0 : i32
    %dma_wait3A_90 = arith.constant 0 : i32
    %dma_wait3A_91 = tpu.memref_slice %arg7[%dma_wait3A_89, %dma_wait3A_90] : memref<10000x16xf32, #tpu.memory_space<vmem_shared>> -> memref<10000x16xf32, #tpu.memory_space<vmem_shared>>
    %dma_wait3A_92 = tpu.memref_slice %arg8[%dma_wait3A_85] : memref<8x!tpu.dma_semaphore, #tpu.memory_space<semaphore_mem>> -> memref<1x!tpu.dma_semaphore, #tpu.memory_space<semaphore_mem>>
    %dma_wait3A_93 = tpu.memref_squeeze %dma_wait3A_92 : memref<1x!tpu.dma_semaphore, #tpu.memory_space<semaphore_mem>> -> memref<!tpu.dma_semaphore, #tpu.memory_space<semaphore_mem>>
    tpu.wait_indirect_dma semaphore(%dma_wait3A_93 : memref<!tpu.dma_semaphore, #tpu.memory_space<semaphore_mem>>) src(%arg6 : memref<80x16xf32, #tpu.memory_space<vmem>>) dst(%dma_wait3A_91 : memref<10000x16xf32, #tpu.memory_space<vmem_shared>>)
    %barrier3A_94 = arith.constant 0 : index
    tpu.barrier barrier_id(%barrier3A_94)
    "tpu.region"() ({
      %run_scoped3A_95 = tpu.sem_alloc : memref<!tpu.dma_semaphore, #tpu.memory_space<semaphore_mem>>
      %dma_start3A = arith.constant 0 : i32
      %dma_start3A_96 = tpu.memref_slice %arg4[%arg0, %mul3A_2, %dma_start3A] : memref<2x10000x16xf32, #tpu.memory_space<hbm>> -> memref<1x640x16xf32, #tpu.memory_space<hbm>>
      %dma_start3A_97 = tpu.memref_squeeze %dma_start3A_96 : memref<1x640x16xf32, #tpu.memory_space<hbm>> -> memref<640x16xf32, #tpu.memory_space<hbm>>
      %dma_start3A_98 = arith.constant 0 : i32
      %dma_start3A_99 = tpu.memref_slice %arg7[%mul3A_2, %dma_start3A_98] : memref<10000x16xf32, #tpu.memory_space<vmem_shared>> -> memref<640x16xf32, #tpu.memory_space<vmem_shared>>
      tpu.enqueue_dma source(%dma_start3A_99 : memref<640x16xf32, #tpu.memory_space<vmem_shared>>) target(%dma_start3A_97 : memref<640x16xf32, #tpu.memory_space<hbm>>) target_semaphore(%run_scoped3A_95 : memref<!tpu.dma_semaphore, #tpu.memory_space<semaphore_mem>>)
      %dma_wait3A_100 = arith.constant 0 : i32
      %dma_wait3A_101 = tpu.memref_slice %arg4[%arg0, %mul3A_2, %dma_wait3A_100] : memref<2x10000x16xf32, #tpu.memory_space<hbm>> -> memref<1x640x16xf32, #tpu.memory_space<hbm>>
      %dma_wait3A_102 = tpu.memref_squeeze %dma_wait3A_101 : memref<1x640x16xf32, #tpu.memory_space<hbm>> -> memref<640x16xf32, #tpu.memory_space<hbm>>
      %dma_wait3A_103 = arith.constant 0 : i32
      %dma_wait3A_104 = tpu.memref_slice %arg7[%mul3A_2, %dma_wait3A_103] : memref<10000x16xf32, #tpu.memory_space<vmem_shared>> -> memref<640x16xf32, #tpu.memory_space<vmem_shared>>
      tpu.wait_dma2 semaphore(%run_scoped3A_95 : memref<!tpu.dma_semaphore, #tpu.memory_space<semaphore_mem>>) src(%dma_wait3A_104 : memref<640x16xf32, #tpu.memory_space<vmem_shared>>) dst(%dma_wait3A_102 : memref<640x16xf32, #tpu.memory_space<hbm>>)
      tpu.yield
    }) : () -> ()
    return
  }
}

#map = affine_map<(d0, d1) -> (0, 0)>
#map1 = affine_map<(d0, d1) -> (0, 0, 0, 0)>
#map2 = affine_map<(d0, d1) -> (0, 0, 0)>
module attributes {stable_mosaic.version = 14 : i64} {
  func.func @body(%arg0: i32, %arg1: i32, %arg2: memref<10000x64xf32, #tpu.memory_space<hbm>>, %arg3: memref<2x32x125x80xi32, #tpu.memory_space<hbm>>, %arg4: memref<10000x64xf32, #tpu.memory_space<hbm>>, %arg5: memref<2x10000x64xf32, #tpu.memory_space<hbm>>, %arg6: memref<125x80xi32, #tpu.memory_space<vmem>>, %arg7: memref<125x80xi32, #tpu.memory_space<vmem>>, %arg8: memref<12x80x64xf32, #tpu.memory_space<vmem>>, %arg9: memref<10000x64xf32, #tpu.memory_space<vmem_shared>>, %arg10: memref<12x!tpu.dma_semaphore, #tpu.memory_space<semaphore_mem>>, %arg11: memref<12x!tpu.dma_semaphore, #tpu.memory_space<semaphore_mem>>) attributes {dimension_semantics = [#tpu.dimension_semantics<core_parallel>, #tpu.dimension_semantics<subcore_parallel>], iteration_bounds = array<i64: 2, 16>, scalar_prefetch = 0 : i64, scratch_operands = 6 : i64, tpu.core_type = #tpu.core_type<sc_vector_subcore>, window_params = [{transform_indices = #map}, {transform_indices = #map1}, {transform_indices = #map}, {transform_indices = #map2}]} {
    %mul3A = arith.constant 2 : i32
    %mul3A_0 = arith.muli %arg1, %mul3A : i32
    %add3A = arith.addi %mul3A_0, %arg0 : i32
    %mul3A_1 = arith.constant 624 : i32
    %mul3A_2 = arith.muli %arg1, %mul3A_1 : i32
    %run_scoped3A = arith.constant 0 : i32
    "tpu.region"() ({
      %run_scoped3A_188 = tpu.sem_alloc : memref<!tpu.dma_semaphore, #tpu.memory_space<semaphore_mem>>
      %dma_start3A_189 = arith.constant 0 : i32
      %dma_start3A_190 = arith.constant 0 : i32
      %dma_start3A_191 = tpu.memref_slice %arg3[%run_scoped3A, %add3A, %dma_start3A_189, %dma_start3A_190] : memref<2x32x125x80xi32, #tpu.memory_space<hbm>> -> memref<1x1x125x80xi32, #tpu.memory_space<hbm>>
      %dma_start3A_192 = tpu.memref_squeeze %dma_start3A_191 : memref<1x1x125x80xi32, #tpu.memory_space<hbm>> -> memref<125x80xi32, #tpu.memory_space<hbm>>
      %dma_start3A_193 = arith.constant 0 : i32
      %dma_start3A_194 = arith.constant 0 : i32
      %dma_start3A_195 = tpu.memref_slice %arg3[%run_scoped3A, %add3A, %dma_start3A_193, %dma_start3A_194] : memref<2x32x125x80xi32, #tpu.memory_space<hbm>> -> memref<1x1x125x80xi32, #tpu.memory_space<hbm>>
      %dma_start3A_196 = tpu.memref_squeeze %dma_start3A_195 : memref<1x1x125x80xi32, #tpu.memory_space<hbm>> -> memref<125x80xi32, #tpu.memory_space<hbm>>
      tpu.enqueue_dma source(%dma_start3A_196 : memref<125x80xi32, #tpu.memory_space<hbm>>) target(%arg6 : memref<125x80xi32, #tpu.memory_space<vmem>>) target_semaphore(%run_scoped3A_188 : memref<!tpu.dma_semaphore, #tpu.memory_space<semaphore_mem>>)
      %dma_wait3A_197 = arith.constant 0 : i32
      %dma_wait3A_198 = arith.constant 0 : i32
      %dma_wait3A_199 = tpu.memref_slice %arg3[%run_scoped3A, %add3A, %dma_wait3A_197, %dma_wait3A_198] : memref<2x32x125x80xi32, #tpu.memory_space<hbm>> -> memref<1x1x125x80xi32, #tpu.memory_space<hbm>>
      %dma_wait3A_200 = tpu.memref_squeeze %dma_wait3A_199 : memref<1x1x125x80xi32, #tpu.memory_space<hbm>> -> memref<125x80xi32, #tpu.memory_space<hbm>>
      %dma_wait3A_201 = arith.constant 0 : i32
      %dma_wait3A_202 = arith.constant 0 : i32
      %dma_wait3A_203 = tpu.memref_slice %arg3[%run_scoped3A, %add3A, %dma_wait3A_201, %dma_wait3A_202] : memref<2x32x125x80xi32, #tpu.memory_space<hbm>> -> memref<1x1x125x80xi32, #tpu.memory_space<hbm>>
      %dma_wait3A_204 = tpu.memref_squeeze %dma_wait3A_203 : memref<1x1x125x80xi32, #tpu.memory_space<hbm>> -> memref<125x80xi32, #tpu.memory_space<hbm>>
      tpu.wait_dma2 semaphore(%run_scoped3A_188 : memref<!tpu.dma_semaphore, #tpu.memory_space<semaphore_mem>>) src(%dma_wait3A_204 : memref<125x80xi32, #tpu.memory_space<hbm>>) dst(%arg6 : memref<125x80xi32, #tpu.memory_space<vmem>>)
      tpu.yield
    }) : () -> ()
    %run_scoped3A_3 = arith.constant 1 : i32
    "tpu.region"() ({
      %run_scoped3A_188 = tpu.sem_alloc : memref<!tpu.dma_semaphore, #tpu.memory_space<semaphore_mem>>
      %dma_start3A_189 = arith.constant 0 : i32
      %dma_start3A_190 = arith.constant 0 : i32
      %dma_start3A_191 = tpu.memref_slice %arg3[%run_scoped3A_3, %add3A, %dma_start3A_189, %dma_start3A_190] : memref<2x32x125x80xi32, #tpu.memory_space<hbm>> -> memref<1x1x125x80xi32, #tpu.memory_space<hbm>>
      %dma_start3A_192 = tpu.memref_squeeze %dma_start3A_191 : memref<1x1x125x80xi32, #tpu.memory_space<hbm>> -> memref<125x80xi32, #tpu.memory_space<hbm>>
      %dma_start3A_193 = arith.constant 0 : i32
      %dma_start3A_194 = arith.constant 0 : i32
      %dma_start3A_195 = tpu.memref_slice %arg3[%run_scoped3A_3, %add3A, %dma_start3A_193, %dma_start3A_194] : memref<2x32x125x80xi32, #tpu.memory_space<hbm>> -> memref<1x1x125x80xi32, #tpu.memory_space<hbm>>
      %dma_start3A_196 = tpu.memref_squeeze %dma_start3A_195 : memref<1x1x125x80xi32, #tpu.memory_space<hbm>> -> memref<125x80xi32, #tpu.memory_space<hbm>>
      tpu.enqueue_dma source(%dma_start3A_196 : memref<125x80xi32, #tpu.memory_space<hbm>>) target(%arg7 : memref<125x80xi32, #tpu.memory_space<vmem>>) target_semaphore(%run_scoped3A_188 : memref<!tpu.dma_semaphore, #tpu.memory_space<semaphore_mem>>)
      %dma_wait3A_197 = arith.constant 0 : i32
      %dma_wait3A_198 = arith.constant 0 : i32
      %dma_wait3A_199 = tpu.memref_slice %arg3[%run_scoped3A_3, %add3A, %dma_wait3A_197, %dma_wait3A_198] : memref<2x32x125x80xi32, #tpu.memory_space<hbm>> -> memref<1x1x125x80xi32, #tpu.memory_space<hbm>>
      %dma_wait3A_200 = tpu.memref_squeeze %dma_wait3A_199 : memref<1x1x125x80xi32, #tpu.memory_space<hbm>> -> memref<125x80xi32, #tpu.memory_space<hbm>>
      %dma_wait3A_201 = arith.constant 0 : i32
      %dma_wait3A_202 = arith.constant 0 : i32
      %dma_wait3A_203 = tpu.memref_slice %arg3[%run_scoped3A_3, %add3A, %dma_wait3A_201, %dma_wait3A_202] : memref<2x32x125x80xi32, #tpu.memory_space<hbm>> -> memref<1x1x125x80xi32, #tpu.memory_space<hbm>>
      %dma_wait3A_204 = tpu.memref_squeeze %dma_wait3A_203 : memref<1x1x125x80xi32, #tpu.memory_space<hbm>> -> memref<125x80xi32, #tpu.memory_space<hbm>>
      tpu.wait_dma2 semaphore(%run_scoped3A_188 : memref<!tpu.dma_semaphore, #tpu.memory_space<semaphore_mem>>) src(%dma_wait3A_204 : memref<125x80xi32, #tpu.memory_space<hbm>>) dst(%arg7 : memref<125x80xi32, #tpu.memory_space<vmem>>)
      tpu.yield
    }) : () -> ()
    "tpu.region"() ({
      %run_scoped3A_188 = tpu.sem_alloc : memref<!tpu.dma_semaphore, #tpu.memory_space<semaphore_mem>>
      %dma_start3A_189 = arith.constant 0 : i32
      %dma_start3A_190 = tpu.memref_slice %arg9[%mul3A_2, %dma_start3A_189] : memref<10000x64xf32, #tpu.memory_space<vmem_shared>> -> memref<640x64xf32, #tpu.memory_space<vmem_shared>>
      %dma_start3A_191 = arith.constant 0 : i32
      %dma_start3A_192 = tpu.memref_slice %arg4[%mul3A_2, %dma_start3A_191] : memref<10000x64xf32, #tpu.memory_space<hbm>> -> memref<640x64xf32, #tpu.memory_space<hbm>>
      tpu.enqueue_dma source(%dma_start3A_192 : memref<640x64xf32, #tpu.memory_space<hbm>>) target(%dma_start3A_190 : memref<640x64xf32, #tpu.memory_space<vmem_shared>>) target_semaphore(%run_scoped3A_188 : memref<!tpu.dma_semaphore, #tpu.memory_space<semaphore_mem>>)
      %dma_wait3A_193 = arith.constant 0 : i32
      %dma_wait3A_194 = tpu.memref_slice %arg9[%mul3A_2, %dma_wait3A_193] : memref<10000x64xf32, #tpu.memory_space<vmem_shared>> -> memref<640x64xf32, #tpu.memory_space<vmem_shared>>
      %dma_wait3A_195 = arith.constant 0 : i32
      %dma_wait3A_196 = tpu.memref_slice %arg4[%mul3A_2, %dma_wait3A_195] : memref<10000x64xf32, #tpu.memory_space<hbm>> -> memref<640x64xf32, #tpu.memory_space<hbm>>
      tpu.wait_dma2 semaphore(%run_scoped3A_188 : memref<!tpu.dma_semaphore, #tpu.memory_space<semaphore_mem>>) src(%dma_wait3A_196 : memref<640x64xf32, #tpu.memory_space<hbm>>) dst(%dma_wait3A_194 : memref<640x64xf32, #tpu.memory_space<vmem_shared>>)
      tpu.yield
    }) : () -> ()
    %barrier3A = arith.constant 0 : index
    tpu.barrier barrier_id(%barrier3A)
    %dma_start3A = arith.constant 0 : i32
    %dma_start3A_4 = arith.constant 0 : i32
    %dma_start3A_5 = arith.constant 0 : i32
    %dma_start3A_6 = arith.constant 0 : i32
    %dma_start3A_7 = arith.constant 0 : i32
    %dma_start3A_8 = tpu.memref_slice %arg8[%dma_start3A_4, %dma_start3A_6, %dma_start3A_7] : memref<12x80x64xf32, #tpu.memory_space<vmem>> -> memref<1x80x64xf32, #tpu.memory_space<vmem>>
    %dma_start3A_9 = tpu.memref_squeeze %dma_start3A_8 : memref<1x80x64xf32, #tpu.memory_space<vmem>> -> memref<80x64xf32, #tpu.memory_space<vmem>>
    %dma_start3A_10 = arith.constant 0 : i32
    %dma_start3A_11 = tpu.memref_slice %arg6[%dma_start3A, %dma_start3A_10] : memref<125x80xi32, #tpu.memory_space<vmem>> -> memref<1x80xi32, #tpu.memory_space<vmem>>
    %dma_start3A_12 = tpu.memref_squeeze %dma_start3A_11 : memref<1x80xi32, #tpu.memory_space<vmem>> -> memref<80xi32, #tpu.memory_space<vmem>>
    %dma_start3A_13 = arith.constant 0 : i32
    %dma_start3A_14 = arith.constant 0 : i32
    %dma_start3A_15 = tpu.memref_slice %arg2[%dma_start3A_13, %dma_start3A_14] : memref<10000x64xf32, #tpu.memory_space<hbm>> -> memref<10000x64xf32, #tpu.memory_space<hbm>>
    %dma_start3A_16 = tpu.memref_slice %arg10[%dma_start3A_5] : memref<12x!tpu.dma_semaphore, #tpu.memory_space<semaphore_mem>> -> memref<1x!tpu.dma_semaphore, #tpu.memory_space<semaphore_mem>>
    %dma_start3A_17 = tpu.memref_squeeze %dma_start3A_16 : memref<1x!tpu.dma_semaphore, #tpu.memory_space<semaphore_mem>> -> memref<!tpu.dma_semaphore, #tpu.memory_space<semaphore_mem>>
    tpu.enqueue_indirect_dma source(%dma_start3A_15 : memref<10000x64xf32, #tpu.memory_space<hbm>>) target(%dma_start3A_9 : memref<80x64xf32, #tpu.memory_space<vmem>>) offsets(%dma_start3A_12 : memref<80xi32, #tpu.memory_space<vmem>>) semaphore(%dma_start3A_17 : memref<!tpu.dma_semaphore, #tpu.memory_space<semaphore_mem>>)
    %dma_start3A_18 = arith.constant 1 : i32
    %dma_start3A_19 = arith.constant 1 : i32
    %dma_start3A_20 = arith.constant 1 : i32
    %dma_start3A_21 = arith.constant 0 : i32
    %dma_start3A_22 = arith.constant 0 : i32
    %dma_start3A_23 = tpu.memref_slice %arg8[%dma_start3A_19, %dma_start3A_21, %dma_start3A_22] : memref<12x80x64xf32, #tpu.memory_space<vmem>> -> memref<1x80x64xf32, #tpu.memory_space<vmem>>
    %dma_start3A_24 = tpu.memref_squeeze %dma_start3A_23 : memref<1x80x64xf32, #tpu.memory_space<vmem>> -> memref<80x64xf32, #tpu.memory_space<vmem>>
    %dma_start3A_25 = arith.constant 0 : i32
    %dma_start3A_26 = tpu.memref_slice %arg6[%dma_start3A_18, %dma_start3A_25] : memref<125x80xi32, #tpu.memory_space<vmem>> -> memref<1x80xi32, #tpu.memory_space<vmem>>
    %dma_start3A_27 = tpu.memref_squeeze %dma_start3A_26 : memref<1x80xi32, #tpu.memory_space<vmem>> -> memref<80xi32, #tpu.memory_space<vmem>>
    %dma_start3A_28 = arith.constant 0 : i32
    %dma_start3A_29 = arith.constant 0 : i32
    %dma_start3A_30 = tpu.memref_slice %arg2[%dma_start3A_28, %dma_start3A_29] : memref<10000x64xf32, #tpu.memory_space<hbm>> -> memref<10000x64xf32, #tpu.memory_space<hbm>>
    %dma_start3A_31 = tpu.memref_slice %arg10[%dma_start3A_20] : memref<12x!tpu.dma_semaphore, #tpu.memory_space<semaphore_mem>> -> memref<1x!tpu.dma_semaphore, #tpu.memory_space<semaphore_mem>>
    %dma_start3A_32 = tpu.memref_squeeze %dma_start3A_31 : memref<1x!tpu.dma_semaphore, #tpu.memory_space<semaphore_mem>> -> memref<!tpu.dma_semaphore, #tpu.memory_space<semaphore_mem>>
    tpu.enqueue_indirect_dma source(%dma_start3A_30 : memref<10000x64xf32, #tpu.memory_space<hbm>>) target(%dma_start3A_24 : memref<80x64xf32, #tpu.memory_space<vmem>>) offsets(%dma_start3A_27 : memref<80xi32, #tpu.memory_space<vmem>>) semaphore(%dma_start3A_32 : memref<!tpu.dma_semaphore, #tpu.memory_space<semaphore_mem>>)
    %dma_start3A_33 = arith.constant 2 : i32
    %dma_start3A_34 = arith.constant 2 : i32
    %dma_start3A_35 = arith.constant 2 : i32
    %dma_start3A_36 = arith.constant 0 : i32
    %dma_start3A_37 = arith.constant 0 : i32
    %dma_start3A_38 = tpu.memref_slice %arg8[%dma_start3A_34, %dma_start3A_36, %dma_start3A_37] : memref<12x80x64xf32, #tpu.memory_space<vmem>> -> memref<1x80x64xf32, #tpu.memory_space<vmem>>
    %dma_start3A_39 = tpu.memref_squeeze %dma_start3A_38 : memref<1x80x64xf32, #tpu.memory_space<vmem>> -> memref<80x64xf32, #tpu.memory_space<vmem>>
    %dma_start3A_40 = arith.constant 0 : i32
    %dma_start3A_41 = tpu.memref_slice %arg6[%dma_start3A_33, %dma_start3A_40] : memref<125x80xi32, #tpu.memory_space<vmem>> -> memref<1x80xi32, #tpu.memory_space<vmem>>
    %dma_start3A_42 = tpu.memref_squeeze %dma_start3A_41 : memref<1x80xi32, #tpu.memory_space<vmem>> -> memref<80xi32, #tpu.memory_space<vmem>>
    %dma_start3A_43 = arith.constant 0 : i32
    %dma_start3A_44 = arith.constant 0 : i32
    %dma_start3A_45 = tpu.memref_slice %arg2[%dma_start3A_43, %dma_start3A_44] : memref<10000x64xf32, #tpu.memory_space<hbm>> -> memref<10000x64xf32, #tpu.memory_space<hbm>>
    %dma_start3A_46 = tpu.memref_slice %arg10[%dma_start3A_35] : memref<12x!tpu.dma_semaphore, #tpu.memory_space<semaphore_mem>> -> memref<1x!tpu.dma_semaphore, #tpu.memory_space<semaphore_mem>>
    %dma_start3A_47 = tpu.memref_squeeze %dma_start3A_46 : memref<1x!tpu.dma_semaphore, #tpu.memory_space<semaphore_mem>> -> memref<!tpu.dma_semaphore, #tpu.memory_space<semaphore_mem>>
    tpu.enqueue_indirect_dma source(%dma_start3A_45 : memref<10000x64xf32, #tpu.memory_space<hbm>>) target(%dma_start3A_39 : memref<80x64xf32, #tpu.memory_space<vmem>>) offsets(%dma_start3A_42 : memref<80xi32, #tpu.memory_space<vmem>>) semaphore(%dma_start3A_47 : memref<!tpu.dma_semaphore, #tpu.memory_space<semaphore_mem>>)
    %dma_start3A_48 = arith.constant 3 : i32
    %dma_start3A_49 = arith.constant 3 : i32
    %dma_start3A_50 = arith.constant 3 : i32
    %dma_start3A_51 = arith.constant 0 : i32
    %dma_start3A_52 = arith.constant 0 : i32
    %dma_start3A_53 = tpu.memref_slice %arg8[%dma_start3A_49, %dma_start3A_51, %dma_start3A_52] : memref<12x80x64xf32, #tpu.memory_space<vmem>> -> memref<1x80x64xf32, #tpu.memory_space<vmem>>
    %dma_start3A_54 = tpu.memref_squeeze %dma_start3A_53 : memref<1x80x64xf32, #tpu.memory_space<vmem>> -> memref<80x64xf32, #tpu.memory_space<vmem>>
    %dma_start3A_55 = arith.constant 0 : i32
    %dma_start3A_56 = tpu.memref_slice %arg6[%dma_start3A_48, %dma_start3A_55] : memref<125x80xi32, #tpu.memory_space<vmem>> -> memref<1x80xi32, #tpu.memory_space<vmem>>
    %dma_start3A_57 = tpu.memref_squeeze %dma_start3A_56 : memref<1x80xi32, #tpu.memory_space<vmem>> -> memref<80xi32, #tpu.memory_space<vmem>>
    %dma_start3A_58 = arith.constant 0 : i32
    %dma_start3A_59 = arith.constant 0 : i32
    %dma_start3A_60 = tpu.memref_slice %arg2[%dma_start3A_58, %dma_start3A_59] : memref<10000x64xf32, #tpu.memory_space<hbm>> -> memref<10000x64xf32, #tpu.memory_space<hbm>>
    %dma_start3A_61 = tpu.memref_slice %arg10[%dma_start3A_50] : memref<12x!tpu.dma_semaphore, #tpu.memory_space<semaphore_mem>> -> memref<1x!tpu.dma_semaphore, #tpu.memory_space<semaphore_mem>>
    %dma_start3A_62 = tpu.memref_squeeze %dma_start3A_61 : memref<1x!tpu.dma_semaphore, #tpu.memory_space<semaphore_mem>> -> memref<!tpu.dma_semaphore, #tpu.memory_space<semaphore_mem>>
    tpu.enqueue_indirect_dma source(%dma_start3A_60 : memref<10000x64xf32, #tpu.memory_space<hbm>>) target(%dma_start3A_54 : memref<80x64xf32, #tpu.memory_space<vmem>>) offsets(%dma_start3A_57 : memref<80xi32, #tpu.memory_space<vmem>>) semaphore(%dma_start3A_62 : memref<!tpu.dma_semaphore, #tpu.memory_space<semaphore_mem>>)
    %dma_start3A_63 = arith.constant 4 : i32
    %dma_start3A_64 = arith.constant 4 : i32
    %dma_start3A_65 = arith.constant 4 : i32
    %dma_start3A_66 = arith.constant 0 : i32
    %dma_start3A_67 = arith.constant 0 : i32
    %dma_start3A_68 = tpu.memref_slice %arg8[%dma_start3A_64, %dma_start3A_66, %dma_start3A_67] : memref<12x80x64xf32, #tpu.memory_space<vmem>> -> memref<1x80x64xf32, #tpu.memory_space<vmem>>
    %dma_start3A_69 = tpu.memref_squeeze %dma_start3A_68 : memref<1x80x64xf32, #tpu.memory_space<vmem>> -> memref<80x64xf32, #tpu.memory_space<vmem>>
    %dma_start3A_70 = arith.constant 0 : i32
    %dma_start3A_71 = tpu.memref_slice %arg6[%dma_start3A_63, %dma_start3A_70] : memref<125x80xi32, #tpu.memory_space<vmem>> -> memref<1x80xi32, #tpu.memory_space<vmem>>
    %dma_start3A_72 = tpu.memref_squeeze %dma_start3A_71 : memref<1x80xi32, #tpu.memory_space<vmem>> -> memref<80xi32, #tpu.memory_space<vmem>>
    %dma_start3A_73 = arith.constant 0 : i32
    %dma_start3A_74 = arith.constant 0 : i32
    %dma_start3A_75 = tpu.memref_slice %arg2[%dma_start3A_73, %dma_start3A_74] : memref<10000x64xf32, #tpu.memory_space<hbm>> -> memref<10000x64xf32, #tpu.memory_space<hbm>>
    %dma_start3A_76 = tpu.memref_slice %arg10[%dma_start3A_65] : memref<12x!tpu.dma_semaphore, #tpu.memory_space<semaphore_mem>> -> memref<1x!tpu.dma_semaphore, #tpu.memory_space<semaphore_mem>>
    %dma_start3A_77 = tpu.memref_squeeze %dma_start3A_76 : memref<1x!tpu.dma_semaphore, #tpu.memory_space<semaphore_mem>> -> memref<!tpu.dma_semaphore, #tpu.memory_space<semaphore_mem>>
    tpu.enqueue_indirect_dma source(%dma_start3A_75 : memref<10000x64xf32, #tpu.memory_space<hbm>>) target(%dma_start3A_69 : memref<80x64xf32, #tpu.memory_space<vmem>>) offsets(%dma_start3A_72 : memref<80xi32, #tpu.memory_space<vmem>>) semaphore(%dma_start3A_77 : memref<!tpu.dma_semaphore, #tpu.memory_space<semaphore_mem>>)
    %dma_start3A_78 = arith.constant 5 : i32
    %dma_start3A_79 = arith.constant 5 : i32
    %dma_start3A_80 = arith.constant 5 : i32
    %dma_start3A_81 = arith.constant 0 : i32
    %dma_start3A_82 = arith.constant 0 : i32
    %dma_start3A_83 = tpu.memref_slice %arg8[%dma_start3A_79, %dma_start3A_81, %dma_start3A_82] : memref<12x80x64xf32, #tpu.memory_space<vmem>> -> memref<1x80x64xf32, #tpu.memory_space<vmem>>
    %dma_start3A_84 = tpu.memref_squeeze %dma_start3A_83 : memref<1x80x64xf32, #tpu.memory_space<vmem>> -> memref<80x64xf32, #tpu.memory_space<vmem>>
    %dma_start3A_85 = arith.constant 0 : i32
    %dma_start3A_86 = tpu.memref_slice %arg6[%dma_start3A_78, %dma_start3A_85] : memref<125x80xi32, #tpu.memory_space<vmem>> -> memref<1x80xi32, #tpu.memory_space<vmem>>
    %dma_start3A_87 = tpu.memref_squeeze %dma_start3A_86 : memref<1x80xi32, #tpu.memory_space<vmem>> -> memref<80xi32, #tpu.memory_space<vmem>>
    %dma_start3A_88 = arith.constant 0 : i32
    %dma_start3A_89 = arith.constant 0 : i32
    %dma_start3A_90 = tpu.memref_slice %arg2[%dma_start3A_88, %dma_start3A_89] : memref<10000x64xf32, #tpu.memory_space<hbm>> -> memref<10000x64xf32, #tpu.memory_space<hbm>>
    %dma_start3A_91 = tpu.memref_slice %arg10[%dma_start3A_80] : memref<12x!tpu.dma_semaphore, #tpu.memory_space<semaphore_mem>> -> memref<1x!tpu.dma_semaphore, #tpu.memory_space<semaphore_mem>>
    %dma_start3A_92 = tpu.memref_squeeze %dma_start3A_91 : memref<1x!tpu.dma_semaphore, #tpu.memory_space<semaphore_mem>> -> memref<!tpu.dma_semaphore, #tpu.memory_space<semaphore_mem>>
    tpu.enqueue_indirect_dma source(%dma_start3A_90 : memref<10000x64xf32, #tpu.memory_space<hbm>>) target(%dma_start3A_84 : memref<80x64xf32, #tpu.memory_space<vmem>>) offsets(%dma_start3A_87 : memref<80xi32, #tpu.memory_space<vmem>>) semaphore(%dma_start3A_92 : memref<!tpu.dma_semaphore, #tpu.memory_space<semaphore_mem>>)
    %scan3A = arith.constant 0 : i32
    %scan3A_93 = arith.constant 0 : i32
    %scan3A_94 = arith.constant 125 : i32
    %scan3A_95 = arith.addi %scan3A_93, %scan3A_94 : i32
    %scan3A_96 = arith.constant 1 : i32
    scf.for %scan3A_188 = %scan3A_93 to %scan3A_95 step %scan3A_96  : i32 {
      %rem3A = arith.constant 12 : i32
      %rem3A_189 = arith.remsi %scan3A_188, %rem3A : i32
      %add3A_190 = arith.constant 6 : i32
      %add3A_191 = arith.addi %scan3A_188, %add3A_190 : i32
      %rem3A_192 = arith.constant 12 : i32
      %rem3A_193 = arith.remsi %add3A_191, %rem3A_192 : i32
      %dma_wait3A_194 = arith.constant 0 : i32
      %dma_wait3A_195 = arith.constant 0 : i32
      %dma_wait3A_196 = tpu.memref_slice %arg8[%rem3A_189, %dma_wait3A_194, %dma_wait3A_195] : memref<12x80x64xf32, #tpu.memory_space<vmem>> -> memref<1x80x64xf32, #tpu.memory_space<vmem>>
      %dma_wait3A_197 = tpu.memref_squeeze %dma_wait3A_196 : memref<1x80x64xf32, #tpu.memory_space<vmem>> -> memref<80x64xf32, #tpu.memory_space<vmem>>
      %dma_wait3A_198 = arith.constant 0 : i32
      %dma_wait3A_199 = tpu.memref_slice %arg6[%scan3A_188, %dma_wait3A_198] : memref<125x80xi32, #tpu.memory_space<vmem>> -> memref<1x80xi32, #tpu.memory_space<vmem>>
      %dma_wait3A_200 = tpu.memref_squeeze %dma_wait3A_199 : memref<1x80xi32, #tpu.memory_space<vmem>> -> memref<80xi32, #tpu.memory_space<vmem>>
      %dma_wait3A_201 = arith.constant 0 : i32
      %dma_wait3A_202 = arith.constant 0 : i32
      %dma_wait3A_203 = tpu.memref_slice %arg2[%dma_wait3A_201, %dma_wait3A_202] : memref<10000x64xf32, #tpu.memory_space<hbm>> -> memref<10000x64xf32, #tpu.memory_space<hbm>>
      %dma_wait3A_204 = tpu.memref_slice %arg10[%rem3A_189] : memref<12x!tpu.dma_semaphore, #tpu.memory_space<semaphore_mem>> -> memref<1x!tpu.dma_semaphore, #tpu.memory_space<semaphore_mem>>
      %dma_wait3A_205 = tpu.memref_squeeze %dma_wait3A_204 : memref<1x!tpu.dma_semaphore, #tpu.memory_space<semaphore_mem>> -> memref<!tpu.dma_semaphore, #tpu.memory_space<semaphore_mem>>
      tpu.wait_indirect_dma semaphore(%dma_wait3A_205 : memref<!tpu.dma_semaphore, #tpu.memory_space<semaphore_mem>>) src(%dma_wait3A_203 : memref<10000x64xf32, #tpu.memory_space<hbm>>) dst(%dma_wait3A_197 : memref<80x64xf32, #tpu.memory_space<vmem>>)
      %dma_start3A_206 = arith.constant 0 : i32
      %dma_start3A_207 = arith.constant 0 : i32
      %dma_start3A_208 = tpu.memref_slice %arg8[%rem3A_189, %dma_start3A_206, %dma_start3A_207] : memref<12x80x64xf32, #tpu.memory_space<vmem>> -> memref<1x80x64xf32, #tpu.memory_space<vmem>>
      %dma_start3A_209 = tpu.memref_squeeze %dma_start3A_208 : memref<1x80x64xf32, #tpu.memory_space<vmem>> -> memref<80x64xf32, #tpu.memory_space<vmem>>
      %dma_start3A_210 = arith.constant 0 : i32
      %dma_start3A_211 = tpu.memref_slice %arg7[%scan3A_188, %dma_start3A_210] : memref<125x80xi32, #tpu.memory_space<vmem>> -> memref<1x80xi32, #tpu.memory_space<vmem>>
      %dma_start3A_212 = tpu.memref_squeeze %dma_start3A_211 : memref<1x80xi32, #tpu.memory_space<vmem>> -> memref<80xi32, #tpu.memory_space<vmem>>
      %dma_start3A_213 = arith.constant 0 : i32
      %dma_start3A_214 = arith.constant 0 : i32
      %dma_start3A_215 = tpu.memref_slice %arg9[%dma_start3A_213, %dma_start3A_214] : memref<10000x64xf32, #tpu.memory_space<vmem_shared>> -> memref<10000x64xf32, #tpu.memory_space<vmem_shared>>
      %dma_start3A_216 = tpu.memref_slice %arg11[%rem3A_189] : memref<12x!tpu.dma_semaphore, #tpu.memory_space<semaphore_mem>> -> memref<1x!tpu.dma_semaphore, #tpu.memory_space<semaphore_mem>>
      %dma_start3A_217 = tpu.memref_squeeze %dma_start3A_216 : memref<1x!tpu.dma_semaphore, #tpu.memory_space<semaphore_mem>> -> memref<!tpu.dma_semaphore, #tpu.memory_space<semaphore_mem>>
      tpu.enqueue_indirect_dma source(%dma_start3A_209 : memref<80x64xf32, #tpu.memory_space<vmem>>) target(%dma_start3A_215 : memref<10000x64xf32, #tpu.memory_space<vmem_shared>>) offsets(%dma_start3A_212 : memref<80xi32, #tpu.memory_space<vmem>>) semaphore(%dma_start3A_217 : memref<!tpu.dma_semaphore, #tpu.memory_space<semaphore_mem>>) {add = true}
      %ge3A = arith.constant 6 : i32
      %ge3A_218 = arith.cmpi sge, %scan3A_188, %ge3A : i32
      %convert_element_type3A = arith.extui %ge3A_218 : i1 to i32
      %cond3A = arith.constant 0 : i32
      %cond3A_219 = arith.cmpi ne, %convert_element_type3A, %cond3A : i32
      scf.if %cond3A_219 {
        %sub3A = arith.constant 6 : i32
        %sub3A_226 = arith.subi %scan3A_188, %sub3A : i32
        %dma_wait3A_227 = arith.constant 0 : i32
        %dma_wait3A_228 = arith.constant 0 : i32
        %dma_wait3A_229 = tpu.memref_slice %arg8[%rem3A_193, %dma_wait3A_227, %dma_wait3A_228] : memref<12x80x64xf32, #tpu.memory_space<vmem>> -> memref<1x80x64xf32, #tpu.memory_space<vmem>>
        %dma_wait3A_230 = tpu.memref_squeeze %dma_wait3A_229 : memref<1x80x64xf32, #tpu.memory_space<vmem>> -> memref<80x64xf32, #tpu.memory_space<vmem>>
        %dma_wait3A_231 = arith.constant 0 : i32
        %dma_wait3A_232 = tpu.memref_slice %arg7[%sub3A_226, %dma_wait3A_231] : memref<125x80xi32, #tpu.memory_space<vmem>> -> memref<1x80xi32, #tpu.memory_space<vmem>>
        %dma_wait3A_233 = tpu.memref_squeeze %dma_wait3A_232 : memref<1x80xi32, #tpu.memory_space<vmem>> -> memref<80xi32, #tpu.memory_space<vmem>>
        %dma_wait3A_234 = arith.constant 0 : i32
        %dma_wait3A_235 = arith.constant 0 : i32
        %dma_wait3A_236 = tpu.memref_slice %arg9[%dma_wait3A_234, %dma_wait3A_235] : memref<10000x64xf32, #tpu.memory_space<vmem_shared>> -> memref<10000x64xf32, #tpu.memory_space<vmem_shared>>
        %dma_wait3A_237 = tpu.memref_slice %arg11[%rem3A_193] : memref<12x!tpu.dma_semaphore, #tpu.memory_space<semaphore_mem>> -> memref<1x!tpu.dma_semaphore, #tpu.memory_space<semaphore_mem>>
        %dma_wait3A_238 = tpu.memref_squeeze %dma_wait3A_237 : memref<1x!tpu.dma_semaphore, #tpu.memory_space<semaphore_mem>> -> memref<!tpu.dma_semaphore, #tpu.memory_space<semaphore_mem>>
        tpu.wait_indirect_dma semaphore(%dma_wait3A_238 : memref<!tpu.dma_semaphore, #tpu.memory_space<semaphore_mem>>) src(%dma_wait3A_230 : memref<80x64xf32, #tpu.memory_space<vmem>>) dst(%dma_wait3A_236 : memref<10000x64xf32, #tpu.memory_space<vmem_shared>>)
      } else {
      }
      %add3A_220 = arith.constant 6 : i32
      %add3A_221 = arith.addi %scan3A_188, %add3A_220 : i32
      %lt3A = arith.constant 125 : i32
      %lt3A_222 = arith.cmpi slt, %add3A_221, %lt3A : i32
      %convert_element_type3A_223 = arith.extui %lt3A_222 : i1 to i32
      %cond3A_224 = arith.constant 0 : i32
      %cond3A_225 = arith.cmpi ne, %convert_element_type3A_223, %cond3A_224 : i32
      scf.if %cond3A_225 {
        %add3A_226 = arith.constant 6 : i32
        %add3A_227 = arith.addi %scan3A_188, %add3A_226 : i32
        %dma_start3A_228 = arith.constant 0 : i32
        %dma_start3A_229 = arith.constant 0 : i32
        %dma_start3A_230 = tpu.memref_slice %arg8[%rem3A_193, %dma_start3A_228, %dma_start3A_229] : memref<12x80x64xf32, #tpu.memory_space<vmem>> -> memref<1x80x64xf32, #tpu.memory_space<vmem>>
        %dma_start3A_231 = tpu.memref_squeeze %dma_start3A_230 : memref<1x80x64xf32, #tpu.memory_space<vmem>> -> memref<80x64xf32, #tpu.memory_space<vmem>>
        %dma_start3A_232 = arith.constant 0 : i32
        %dma_start3A_233 = tpu.memref_slice %arg6[%add3A_227, %dma_start3A_232] : memref<125x80xi32, #tpu.memory_space<vmem>> -> memref<1x80xi32, #tpu.memory_space<vmem>>
        %dma_start3A_234 = tpu.memref_squeeze %dma_start3A_233 : memref<1x80xi32, #tpu.memory_space<vmem>> -> memref<80xi32, #tpu.memory_space<vmem>>
        %dma_start3A_235 = arith.constant 0 : i32
        %dma_start3A_236 = arith.constant 0 : i32
        %dma_start3A_237 = tpu.memref_slice %arg2[%dma_start3A_235, %dma_start3A_236] : memref<10000x64xf32, #tpu.memory_space<hbm>> -> memref<10000x64xf32, #tpu.memory_space<hbm>>
        %dma_start3A_238 = tpu.memref_slice %arg10[%rem3A_193] : memref<12x!tpu.dma_semaphore, #tpu.memory_space<semaphore_mem>> -> memref<1x!tpu.dma_semaphore, #tpu.memory_space<semaphore_mem>>
        %dma_start3A_239 = tpu.memref_squeeze %dma_start3A_238 : memref<1x!tpu.dma_semaphore, #tpu.memory_space<semaphore_mem>> -> memref<!tpu.dma_semaphore, #tpu.memory_space<semaphore_mem>>
        tpu.enqueue_indirect_dma source(%dma_start3A_237 : memref<10000x64xf32, #tpu.memory_space<hbm>>) target(%dma_start3A_231 : memref<80x64xf32, #tpu.memory_space<vmem>>) offsets(%dma_start3A_234 : memref<80xi32, #tpu.memory_space<vmem>>) semaphore(%dma_start3A_239 : memref<!tpu.dma_semaphore, #tpu.memory_space<semaphore_mem>>)
      } else {
      }
    }
    %scan3A_97 = arith.constant 125 : i32
    %dma_wait3A = arith.constant 11 : i32
    %dma_wait3A_98 = arith.constant 119 : i32
    %dma_wait3A_99 = arith.constant 11 : i32
    %dma_wait3A_100 = arith.constant 0 : i32
    %dma_wait3A_101 = arith.constant 0 : i32
    %dma_wait3A_102 = tpu.memref_slice %arg8[%dma_wait3A, %dma_wait3A_100, %dma_wait3A_101] : memref<12x80x64xf32, #tpu.memory_space<vmem>> -> memref<1x80x64xf32, #tpu.memory_space<vmem>>
    %dma_wait3A_103 = tpu.memref_squeeze %dma_wait3A_102 : memref<1x80x64xf32, #tpu.memory_space<vmem>> -> memref<80x64xf32, #tpu.memory_space<vmem>>
    %dma_wait3A_104 = arith.constant 0 : i32
    %dma_wait3A_105 = tpu.memref_slice %arg7[%dma_wait3A_98, %dma_wait3A_104] : memref<125x80xi32, #tpu.memory_space<vmem>> -> memref<1x80xi32, #tpu.memory_space<vmem>>
    %dma_wait3A_106 = tpu.memref_squeeze %dma_wait3A_105 : memref<1x80xi32, #tpu.memory_space<vmem>> -> memref<80xi32, #tpu.memory_space<vmem>>
    %dma_wait3A_107 = arith.constant 0 : i32
    %dma_wait3A_108 = arith.constant 0 : i32
    %dma_wait3A_109 = tpu.memref_slice %arg9[%dma_wait3A_107, %dma_wait3A_108] : memref<10000x64xf32, #tpu.memory_space<vmem_shared>> -> memref<10000x64xf32, #tpu.memory_space<vmem_shared>>
    %dma_wait3A_110 = tpu.memref_slice %arg11[%dma_wait3A_99] : memref<12x!tpu.dma_semaphore, #tpu.memory_space<semaphore_mem>> -> memref<1x!tpu.dma_semaphore, #tpu.memory_space<semaphore_mem>>
    %dma_wait3A_111 = tpu.memref_squeeze %dma_wait3A_110 : memref<1x!tpu.dma_semaphore, #tpu.memory_space<semaphore_mem>> -> memref<!tpu.dma_semaphore, #tpu.memory_space<semaphore_mem>>
    tpu.wait_indirect_dma semaphore(%dma_wait3A_111 : memref<!tpu.dma_semaphore, #tpu.memory_space<semaphore_mem>>) src(%dma_wait3A_103 : memref<80x64xf32, #tpu.memory_space<vmem>>) dst(%dma_wait3A_109 : memref<10000x64xf32, #tpu.memory_space<vmem_shared>>)
    %dma_wait3A_112 = arith.constant 0 : i32
    %dma_wait3A_113 = arith.constant 120 : i32
    %dma_wait3A_114 = arith.constant 0 : i32
    %dma_wait3A_115 = arith.constant 0 : i32
    %dma_wait3A_116 = arith.constant 0 : i32
    %dma_wait3A_117 = tpu.memref_slice %arg8[%dma_wait3A_112, %dma_wait3A_115, %dma_wait3A_116] : memref<12x80x64xf32, #tpu.memory_space<vmem>> -> memref<1x80x64xf32, #tpu.memory_space<vmem>>
    %dma_wait3A_118 = tpu.memref_squeeze %dma_wait3A_117 : memref<1x80x64xf32, #tpu.memory_space<vmem>> -> memref<80x64xf32, #tpu.memory_space<vmem>>
    %dma_wait3A_119 = arith.constant 0 : i32
    %dma_wait3A_120 = tpu.memref_slice %arg7[%dma_wait3A_113, %dma_wait3A_119] : memref<125x80xi32, #tpu.memory_space<vmem>> -> memref<1x80xi32, #tpu.memory_space<vmem>>
    %dma_wait3A_121 = tpu.memref_squeeze %dma_wait3A_120 : memref<1x80xi32, #tpu.memory_space<vmem>> -> memref<80xi32, #tpu.memory_space<vmem>>
    %dma_wait3A_122 = arith.constant 0 : i32
    %dma_wait3A_123 = arith.constant 0 : i32
    %dma_wait3A_124 = tpu.memref_slice %arg9[%dma_wait3A_122, %dma_wait3A_123] : memref<10000x64xf32, #tpu.memory_space<vmem_shared>> -> memref<10000x64xf32, #tpu.memory_space<vmem_shared>>
    %dma_wait3A_125 = tpu.memref_slice %arg11[%dma_wait3A_114] : memref<12x!tpu.dma_semaphore, #tpu.memory_space<semaphore_mem>> -> memref<1x!tpu.dma_semaphore, #tpu.memory_space<semaphore_mem>>
    %dma_wait3A_126 = tpu.memref_squeeze %dma_wait3A_125 : memref<1x!tpu.dma_semaphore, #tpu.memory_space<semaphore_mem>> -> memref<!tpu.dma_semaphore, #tpu.memory_space<semaphore_mem>>
    tpu.wait_indirect_dma semaphore(%dma_wait3A_126 : memref<!tpu.dma_semaphore, #tpu.memory_space<semaphore_mem>>) src(%dma_wait3A_118 : memref<80x64xf32, #tpu.memory_space<vmem>>) dst(%dma_wait3A_124 : memref<10000x64xf32, #tpu.memory_space<vmem_shared>>)
    %dma_wait3A_127 = arith.constant 1 : i32
    %dma_wait3A_128 = arith.constant 121 : i32
    %dma_wait3A_129 = arith.constant 1 : i32
    %dma_wait3A_130 = arith.constant 0 : i32
    %dma_wait3A_131 = arith.constant 0 : i32
    %dma_wait3A_132 = tpu.memref_slice %arg8[%dma_wait3A_127, %dma_wait3A_130, %dma_wait3A_131] : memref<12x80x64xf32, #tpu.memory_space<vmem>> -> memref<1x80x64xf32, #tpu.memory_space<vmem>>
    %dma_wait3A_133 = tpu.memref_squeeze %dma_wait3A_132 : memref<1x80x64xf32, #tpu.memory_space<vmem>> -> memref<80x64xf32, #tpu.memory_space<vmem>>
    %dma_wait3A_134 = arith.constant 0 : i32
    %dma_wait3A_135 = tpu.memref_slice %arg7[%dma_wait3A_128, %dma_wait3A_134] : memref<125x80xi32, #tpu.memory_space<vmem>> -> memref<1x80xi32, #tpu.memory_space<vmem>>
    %dma_wait3A_136 = tpu.memref_squeeze %dma_wait3A_135 : memref<1x80xi32, #tpu.memory_space<vmem>> -> memref<80xi32, #tpu.memory_space<vmem>>
    %dma_wait3A_137 = arith.constant 0 : i32
    %dma_wait3A_138 = arith.constant 0 : i32
    %dma_wait3A_139 = tpu.memref_slice %arg9[%dma_wait3A_137, %dma_wait3A_138] : memref<10000x64xf32, #tpu.memory_space<vmem_shared>> -> memref<10000x64xf32, #tpu.memory_space<vmem_shared>>
    %dma_wait3A_140 = tpu.memref_slice %arg11[%dma_wait3A_129] : memref<12x!tpu.dma_semaphore, #tpu.memory_space<semaphore_mem>> -> memref<1x!tpu.dma_semaphore, #tpu.memory_space<semaphore_mem>>
    %dma_wait3A_141 = tpu.memref_squeeze %dma_wait3A_140 : memref<1x!tpu.dma_semaphore, #tpu.memory_space<semaphore_mem>> -> memref<!tpu.dma_semaphore, #tpu.memory_space<semaphore_mem>>
    tpu.wait_indirect_dma semaphore(%dma_wait3A_141 : memref<!tpu.dma_semaphore, #tpu.memory_space<semaphore_mem>>) src(%dma_wait3A_133 : memref<80x64xf32, #tpu.memory_space<vmem>>) dst(%dma_wait3A_139 : memref<10000x64xf32, #tpu.memory_space<vmem_shared>>)
    %dma_wait3A_142 = arith.constant 2 : i32
    %dma_wait3A_143 = arith.constant 122 : i32
    %dma_wait3A_144 = arith.constant 2 : i32
    %dma_wait3A_145 = arith.constant 0 : i32
    %dma_wait3A_146 = arith.constant 0 : i32
    %dma_wait3A_147 = tpu.memref_slice %arg8[%dma_wait3A_142, %dma_wait3A_145, %dma_wait3A_146] : memref<12x80x64xf32, #tpu.memory_space<vmem>> -> memref<1x80x64xf32, #tpu.memory_space<vmem>>
    %dma_wait3A_148 = tpu.memref_squeeze %dma_wait3A_147 : memref<1x80x64xf32, #tpu.memory_space<vmem>> -> memref<80x64xf32, #tpu.memory_space<vmem>>
    %dma_wait3A_149 = arith.constant 0 : i32
    %dma_wait3A_150 = tpu.memref_slice %arg7[%dma_wait3A_143, %dma_wait3A_149] : memref<125x80xi32, #tpu.memory_space<vmem>> -> memref<1x80xi32, #tpu.memory_space<vmem>>
    %dma_wait3A_151 = tpu.memref_squeeze %dma_wait3A_150 : memref<1x80xi32, #tpu.memory_space<vmem>> -> memref<80xi32, #tpu.memory_space<vmem>>
    %dma_wait3A_152 = arith.constant 0 : i32
    %dma_wait3A_153 = arith.constant 0 : i32
    %dma_wait3A_154 = tpu.memref_slice %arg9[%dma_wait3A_152, %dma_wait3A_153] : memref<10000x64xf32, #tpu.memory_space<vmem_shared>> -> memref<10000x64xf32, #tpu.memory_space<vmem_shared>>
    %dma_wait3A_155 = tpu.memref_slice %arg11[%dma_wait3A_144] : memref<12x!tpu.dma_semaphore, #tpu.memory_space<semaphore_mem>> -> memref<1x!tpu.dma_semaphore, #tpu.memory_space<semaphore_mem>>
    %dma_wait3A_156 = tpu.memref_squeeze %dma_wait3A_155 : memref<1x!tpu.dma_semaphore, #tpu.memory_space<semaphore_mem>> -> memref<!tpu.dma_semaphore, #tpu.memory_space<semaphore_mem>>
    tpu.wait_indirect_dma semaphore(%dma_wait3A_156 : memref<!tpu.dma_semaphore, #tpu.memory_space<semaphore_mem>>) src(%dma_wait3A_148 : memref<80x64xf32, #tpu.memory_space<vmem>>) dst(%dma_wait3A_154 : memref<10000x64xf32, #tpu.memory_space<vmem_shared>>)
    %dma_wait3A_157 = arith.constant 3 : i32
    %dma_wait3A_158 = arith.constant 123 : i32
    %dma_wait3A_159 = arith.constant 3 : i32
    %dma_wait3A_160 = arith.constant 0 : i32
    %dma_wait3A_161 = arith.constant 0 : i32
    %dma_wait3A_162 = tpu.memref_slice %arg8[%dma_wait3A_157, %dma_wait3A_160, %dma_wait3A_161] : memref<12x80x64xf32, #tpu.memory_space<vmem>> -> memref<1x80x64xf32, #tpu.memory_space<vmem>>
    %dma_wait3A_163 = tpu.memref_squeeze %dma_wait3A_162 : memref<1x80x64xf32, #tpu.memory_space<vmem>> -> memref<80x64xf32, #tpu.memory_space<vmem>>
    %dma_wait3A_164 = arith.constant 0 : i32
    %dma_wait3A_165 = tpu.memref_slice %arg7[%dma_wait3A_158, %dma_wait3A_164] : memref<125x80xi32, #tpu.memory_space<vmem>> -> memref<1x80xi32, #tpu.memory_space<vmem>>
    %dma_wait3A_166 = tpu.memref_squeeze %dma_wait3A_165 : memref<1x80xi32, #tpu.memory_space<vmem>> -> memref<80xi32, #tpu.memory_space<vmem>>
    %dma_wait3A_167 = arith.constant 0 : i32
    %dma_wait3A_168 = arith.constant 0 : i32
    %dma_wait3A_169 = tpu.memref_slice %arg9[%dma_wait3A_167, %dma_wait3A_168] : memref<10000x64xf32, #tpu.memory_space<vmem_shared>> -> memref<10000x64xf32, #tpu.memory_space<vmem_shared>>
    %dma_wait3A_170 = tpu.memref_slice %arg11[%dma_wait3A_159] : memref<12x!tpu.dma_semaphore, #tpu.memory_space<semaphore_mem>> -> memref<1x!tpu.dma_semaphore, #tpu.memory_space<semaphore_mem>>
    %dma_wait3A_171 = tpu.memref_squeeze %dma_wait3A_170 : memref<1x!tpu.dma_semaphore, #tpu.memory_space<semaphore_mem>> -> memref<!tpu.dma_semaphore, #tpu.memory_space<semaphore_mem>>
    tpu.wait_indirect_dma semaphore(%dma_wait3A_171 : memref<!tpu.dma_semaphore, #tpu.memory_space<semaphore_mem>>) src(%dma_wait3A_163 : memref<80x64xf32, #tpu.memory_space<vmem>>) dst(%dma_wait3A_169 : memref<10000x64xf32, #tpu.memory_space<vmem_shared>>)
    %dma_wait3A_172 = arith.constant 4 : i32
    %dma_wait3A_173 = arith.constant 124 : i32
    %dma_wait3A_174 = arith.constant 4 : i32
    %dma_wait3A_175 = arith.constant 0 : i32
    %dma_wait3A_176 = arith.constant 0 : i32
    %dma_wait3A_177 = tpu.memref_slice %arg8[%dma_wait3A_172, %dma_wait3A_175, %dma_wait3A_176] : memref<12x80x64xf32, #tpu.memory_space<vmem>> -> memref<1x80x64xf32, #tpu.memory_space<vmem>>
    %dma_wait3A_178 = tpu.memref_squeeze %dma_wait3A_177 : memref<1x80x64xf32, #tpu.memory_space<vmem>> -> memref<80x64xf32, #tpu.memory_space<vmem>>
    %dma_wait3A_179 = arith.constant 0 : i32
    %dma_wait3A_180 = tpu.memref_slice %arg7[%dma_wait3A_173, %dma_wait3A_179] : memref<125x80xi32, #tpu.memory_space<vmem>> -> memref<1x80xi32, #tpu.memory_space<vmem>>
    %dma_wait3A_181 = tpu.memref_squeeze %dma_wait3A_180 : memref<1x80xi32, #tpu.memory_space<vmem>> -> memref<80xi32, #tpu.memory_space<vmem>>
    %dma_wait3A_182 = arith.constant 0 : i32
    %dma_wait3A_183 = arith.constant 0 : i32
    %dma_wait3A_184 = tpu.memref_slice %arg9[%dma_wait3A_182, %dma_wait3A_183] : memref<10000x64xf32, #tpu.memory_space<vmem_shared>> -> memref<10000x64xf32, #tpu.memory_space<vmem_shared>>
    %dma_wait3A_185 = tpu.memref_slice %arg11[%dma_wait3A_174] : memref<12x!tpu.dma_semaphore, #tpu.memory_space<semaphore_mem>> -> memref<1x!tpu.dma_semaphore, #tpu.memory_space<semaphore_mem>>
    %dma_wait3A_186 = tpu.memref_squeeze %dma_wait3A_185 : memref<1x!tpu.dma_semaphore, #tpu.memory_space<semaphore_mem>> -> memref<!tpu.dma_semaphore, #tpu.memory_space<semaphore_mem>>
    tpu.wait_indirect_dma semaphore(%dma_wait3A_186 : memref<!tpu.dma_semaphore, #tpu.memory_space<semaphore_mem>>) src(%dma_wait3A_178 : memref<80x64xf32, #tpu.memory_space<vmem>>) dst(%dma_wait3A_184 : memref<10000x64xf32, #tpu.memory_space<vmem_shared>>)
    %barrier3A_187 = arith.constant 0 : index
    tpu.barrier barrier_id(%barrier3A_187)
    "tpu.region"() ({
      %run_scoped3A_188 = tpu.sem_alloc : memref<!tpu.dma_semaphore, #tpu.memory_space<semaphore_mem>>
      %dma_start3A_189 = arith.constant 0 : i32
      %dma_start3A_190 = tpu.memref_slice %arg5[%arg0, %mul3A_2, %dma_start3A_189] : memref<2x10000x64xf32, #tpu.memory_space<hbm>> -> memref<1x640x64xf32, #tpu.memory_space<hbm>>
      %dma_start3A_191 = tpu.memref_squeeze %dma_start3A_190 : memref<1x640x64xf32, #tpu.memory_space<hbm>> -> memref<640x64xf32, #tpu.memory_space<hbm>>
      %dma_start3A_192 = arith.constant 0 : i32
      %dma_start3A_193 = tpu.memref_slice %arg9[%mul3A_2, %dma_start3A_192] : memref<10000x64xf32, #tpu.memory_space<vmem_shared>> -> memref<640x64xf32, #tpu.memory_space<vmem_shared>>
      tpu.enqueue_dma source(%dma_start3A_193 : memref<640x64xf32, #tpu.memory_space<vmem_shared>>) target(%dma_start3A_191 : memref<640x64xf32, #tpu.memory_space<hbm>>) target_semaphore(%run_scoped3A_188 : memref<!tpu.dma_semaphore, #tpu.memory_space<semaphore_mem>>)
      %dma_wait3A_194 = arith.constant 0 : i32
      %dma_wait3A_195 = tpu.memref_slice %arg5[%arg0, %mul3A_2, %dma_wait3A_194] : memref<2x10000x64xf32, #tpu.memory_space<hbm>> -> memref<1x640x64xf32, #tpu.memory_space<hbm>>
      %dma_wait3A_196 = tpu.memref_squeeze %dma_wait3A_195 : memref<1x640x64xf32, #tpu.memory_space<hbm>> -> memref<640x64xf32, #tpu.memory_space<hbm>>
      %dma_wait3A_197 = arith.constant 0 : i32
      %dma_wait3A_198 = tpu.memref_slice %arg9[%mul3A_2, %dma_wait3A_197] : memref<10000x64xf32, #tpu.memory_space<vmem_shared>> -> memref<640x64xf32, #tpu.memory_space<vmem_shared>>
      tpu.wait_dma2 semaphore(%run_scoped3A_188 : memref<!tpu.dma_semaphore, #tpu.memory_space<semaphore_mem>>) src(%dma_wait3A_198 : memref<640x64xf32, #tpu.memory_space<vmem_shared>>) dst(%dma_wait3A_196 : memref<640x64xf32, #tpu.memory_space<hbm>>)
      tpu.yield
    }) : () -> ()
    return
  }
}

#map = affine_map<(d0, d1) -> (0, 0)>
#map1 = affine_map<(d0, d1) -> (0, 0, 0, 0)>
#map2 = affine_map<(d0, d1) -> (0, 0, 0)>
module attributes {stable_mosaic.version = 14 : i64} {
  func.func @body(%arg0: i32, %arg1: i32, %arg2: memref<10000x64xf32, #tpu.memory_space<hbm>>, %arg3: memref<2x32x125x80xi32, #tpu.memory_space<hbm>>, %arg4: memref<10000x64xf32, #tpu.memory_space<hbm>>, %arg5: memref<2x10000x64xf32, #tpu.memory_space<hbm>>, %arg6: memref<125x80xi32, #tpu.memory_space<vmem>>, %arg7: memref<125x80xi32, #tpu.memory_space<vmem>>, %arg8: memref<12x80x64xf32, #tpu.memory_space<vmem>>, %arg9: memref<10000x64xf32, #tpu.memory_space<vmem_shared>>, %arg10: memref<12x!tpu.dma_semaphore, #tpu.memory_space<semaphore_mem>>, %arg11: memref<12x!tpu.dma_semaphore, #tpu.memory_space<semaphore_mem>>) attributes {dimension_semantics = [#tpu.dimension_semantics<core_parallel>, #tpu.dimension_semantics<subcore_parallel>], iteration_bounds = array<i64: 2, 16>, scalar_prefetch = 0 : i64, scratch_operands = 6 : i64, tpu.core_type = #tpu.core_type<sc_vector_subcore>, window_params = [{transform_indices = #map}, {transform_indices = #map1}, {transform_indices = #map}, {transform_indices = #map2}]} {
    %mul3A = arith.constant 2 : i32
    %mul3A_0 = arith.muli %arg1, %mul3A : i32
    %add3A = arith.addi %mul3A_0, %arg0 : i32
    %mul3A_1 = arith.constant 624 : i32
    %mul3A_2 = arith.muli %arg1, %mul3A_1 : i32
    %run_scoped3A = arith.constant 0 : i32
    "tpu.region"() ({
      %run_scoped3A_188 = tpu.sem_alloc : memref<!tpu.dma_semaphore, #tpu.memory_space<semaphore_mem>>
      %dma_start3A_189 = arith.constant 0 : i32
      %dma_start3A_190 = arith.constant 0 : i32
      %dma_start3A_191 = tpu.memref_slice %arg3[%run_scoped3A, %add3A, %dma_start3A_189, %dma_start3A_190] : memref<2x32x125x80xi32, #tpu.memory_space<hbm>> -> memref<1x1x125x80xi32, #tpu.memory_space<hbm>>
      %dma_start3A_192 = tpu.memref_squeeze %dma_start3A_191 : memref<1x1x125x80xi32, #tpu.memory_space<hbm>> -> memref<125x80xi32, #tpu.memory_space<hbm>>
      %dma_start3A_193 = arith.constant 0 : i32
      %dma_start3A_194 = arith.constant 0 : i32
      %dma_start3A_195 = tpu.memref_slice %arg3[%run_scoped3A, %add3A, %dma_start3A_193, %dma_start3A_194] : memref<2x32x125x80xi32, #tpu.memory_space<hbm>> -> memref<1x1x125x80xi32, #tpu.memory_space<hbm>>
      %dma_start3A_196 = tpu.memref_squeeze %dma_start3A_195 : memref<1x1x125x80xi32, #tpu.memory_space<hbm>> -> memref<125x80xi32, #tpu.memory_space<hbm>>
      tpu.enqueue_dma source(%dma_start3A_196 : memref<125x80xi32, #tpu.memory_space<hbm>>) target(%arg6 : memref<125x80xi32, #tpu.memory_space<vmem>>) target_semaphore(%run_scoped3A_188 : memref<!tpu.dma_semaphore, #tpu.memory_space<semaphore_mem>>)
      %dma_wait3A_197 = arith.constant 0 : i32
      %dma_wait3A_198 = arith.constant 0 : i32
      %dma_wait3A_199 = tpu.memref_slice %arg3[%run_scoped3A, %add3A, %dma_wait3A_197, %dma_wait3A_198] : memref<2x32x125x80xi32, #tpu.memory_space<hbm>> -> memref<1x1x125x80xi32, #tpu.memory_space<hbm>>
      %dma_wait3A_200 = tpu.memref_squeeze %dma_wait3A_199 : memref<1x1x125x80xi32, #tpu.memory_space<hbm>> -> memref<125x80xi32, #tpu.memory_space<hbm>>
      %dma_wait3A_201 = arith.constant 0 : i32
      %dma_wait3A_202 = arith.constant 0 : i32
      %dma_wait3A_203 = tpu.memref_slice %arg3[%run_scoped3A, %add3A, %dma_wait3A_201, %dma_wait3A_202] : memref<2x32x125x80xi32, #tpu.memory_space<hbm>> -> memref<1x1x125x80xi32, #tpu.memory_space<hbm>>
      %dma_wait3A_204 = tpu.memref_squeeze %dma_wait3A_203 : memref<1x1x125x80xi32, #tpu.memory_space<hbm>> -> memref<125x80xi32, #tpu.memory_space<hbm>>
      tpu.wait_dma2 semaphore(%run_scoped3A_188 : memref<!tpu.dma_semaphore, #tpu.memory_space<semaphore_mem>>) src(%dma_wait3A_204 : memref<125x80xi32, #tpu.memory_space<hbm>>) dst(%arg6 : memref<125x80xi32, #tpu.memory_space<vmem>>)
      tpu.yield
    }) : () -> ()
    %run_scoped3A_3 = arith.constant 1 : i32
    "tpu.region"() ({
      %run_scoped3A_188 = tpu.sem_alloc : memref<!tpu.dma_semaphore, #tpu.memory_space<semaphore_mem>>
      %dma_start3A_189 = arith.constant 0 : i32
      %dma_start3A_190 = arith.constant 0 : i32
      %dma_start3A_191 = tpu.memref_slice %arg3[%run_scoped3A_3, %add3A, %dma_start3A_189, %dma_start3A_190] : memref<2x32x125x80xi32, #tpu.memory_space<hbm>> -> memref<1x1x125x80xi32, #tpu.memory_space<hbm>>
      %dma_start3A_192 = tpu.memref_squeeze %dma_start3A_191 : memref<1x1x125x80xi32, #tpu.memory_space<hbm>> -> memref<125x80xi32, #tpu.memory_space<hbm>>
      %dma_start3A_193 = arith.constant 0 : i32
      %dma_start3A_194 = arith.constant 0 : i32
      %dma_start3A_195 = tpu.memref_slice %arg3[%run_scoped3A_3, %add3A, %dma_start3A_193, %dma_start3A_194] : memref<2x32x125x80xi32, #tpu.memory_space<hbm>> -> memref<1x1x125x80xi32, #tpu.memory_space<hbm>>
      %dma_start3A_196 = tpu.memref_squeeze %dma_start3A_195 : memref<1x1x125x80xi32, #tpu.memory_space<hbm>> -> memref<125x80xi32, #tpu.memory_space<hbm>>
      tpu.enqueue_dma source(%dma_start3A_196 : memref<125x80xi32, #tpu.memory_space<hbm>>) target(%arg7 : memref<125x80xi32, #tpu.memory_space<vmem>>) target_semaphore(%run_scoped3A_188 : memref<!tpu.dma_semaphore, #tpu.memory_space<semaphore_mem>>)
      %dma_wait3A_197 = arith.constant 0 : i32
      %dma_wait3A_198 = arith.constant 0 : i32
      %dma_wait3A_199 = tpu.memref_slice %arg3[%run_scoped3A_3, %add3A, %dma_wait3A_197, %dma_wait3A_198] : memref<2x32x125x80xi32, #tpu.memory_space<hbm>> -> memref<1x1x125x80xi32, #tpu.memory_space<hbm>>
      %dma_wait3A_200 = tpu.memref_squeeze %dma_wait3A_199 : memref<1x1x125x80xi32, #tpu.memory_space<hbm>> -> memref<125x80xi32, #tpu.memory_space<hbm>>
      %dma_wait3A_201 = arith.constant 0 : i32
      %dma_wait3A_202 = arith.constant 0 : i32
      %dma_wait3A_203 = tpu.memref_slice %arg3[%run_scoped3A_3, %add3A, %dma_wait3A_201, %dma_wait3A_202] : memref<2x32x125x80xi32, #tpu.memory_space<hbm>> -> memref<1x1x125x80xi32, #tpu.memory_space<hbm>>
      %dma_wait3A_204 = tpu.memref_squeeze %dma_wait3A_203 : memref<1x1x125x80xi32, #tpu.memory_space<hbm>> -> memref<125x80xi32, #tpu.memory_space<hbm>>
      tpu.wait_dma2 semaphore(%run_scoped3A_188 : memref<!tpu.dma_semaphore, #tpu.memory_space<semaphore_mem>>) src(%dma_wait3A_204 : memref<125x80xi32, #tpu.memory_space<hbm>>) dst(%arg7 : memref<125x80xi32, #tpu.memory_space<vmem>>)
      tpu.yield
    }) : () -> ()
    "tpu.region"() ({
      %run_scoped3A_188 = tpu.sem_alloc : memref<!tpu.dma_semaphore, #tpu.memory_space<semaphore_mem>>
      %dma_start3A_189 = arith.constant 0 : i32
      %dma_start3A_190 = tpu.memref_slice %arg9[%mul3A_2, %dma_start3A_189] : memref<10000x64xf32, #tpu.memory_space<vmem_shared>> -> memref<640x64xf32, #tpu.memory_space<vmem_shared>>
      %dma_start3A_191 = arith.constant 0 : i32
      %dma_start3A_192 = tpu.memref_slice %arg4[%mul3A_2, %dma_start3A_191] : memref<10000x64xf32, #tpu.memory_space<hbm>> -> memref<640x64xf32, #tpu.memory_space<hbm>>
      tpu.enqueue_dma source(%dma_start3A_192 : memref<640x64xf32, #tpu.memory_space<hbm>>) target(%dma_start3A_190 : memref<640x64xf32, #tpu.memory_space<vmem_shared>>) target_semaphore(%run_scoped3A_188 : memref<!tpu.dma_semaphore, #tpu.memory_space<semaphore_mem>>)
      %dma_wait3A_193 = arith.constant 0 : i32
      %dma_wait3A_194 = tpu.memref_slice %arg9[%mul3A_2, %dma_wait3A_193] : memref<10000x64xf32, #tpu.memory_space<vmem_shared>> -> memref<640x64xf32, #tpu.memory_space<vmem_shared>>
      %dma_wait3A_195 = arith.constant 0 : i32
      %dma_wait3A_196 = tpu.memref_slice %arg4[%mul3A_2, %dma_wait3A_195] : memref<10000x64xf32, #tpu.memory_space<hbm>> -> memref<640x64xf32, #tpu.memory_space<hbm>>
      tpu.wait_dma2 semaphore(%run_scoped3A_188 : memref<!tpu.dma_semaphore, #tpu.memory_space<semaphore_mem>>) src(%dma_wait3A_196 : memref<640x64xf32, #tpu.memory_space<hbm>>) dst(%dma_wait3A_194 : memref<640x64xf32, #tpu.memory_space<vmem_shared>>)
      tpu.yield
    }) : () -> ()
    %barrier3A = arith.constant 0 : index
    tpu.barrier barrier_id(%barrier3A)
    %dma_start3A = arith.constant 0 : i32
    %dma_start3A_4 = arith.constant 0 : i32
    %dma_start3A_5 = arith.constant 0 : i32
    %dma_start3A_6 = arith.constant 0 : i32
    %dma_start3A_7 = arith.constant 0 : i32
    %dma_start3A_8 = tpu.memref_slice %arg8[%dma_start3A_4, %dma_start3A_6, %dma_start3A_7] : memref<12x80x64xf32, #tpu.memory_space<vmem>> -> memref<1x80x64xf32, #tpu.memory_space<vmem>>
    %dma_start3A_9 = tpu.memref_squeeze %dma_start3A_8 : memref<1x80x64xf32, #tpu.memory_space<vmem>> -> memref<80x64xf32, #tpu.memory_space<vmem>>
    %dma_start3A_10 = arith.constant 0 : i32
    %dma_start3A_11 = tpu.memref_slice %arg6[%dma_start3A, %dma_start3A_10] : memref<125x80xi32, #tpu.memory_space<vmem>> -> memref<1x80xi32, #tpu.memory_space<vmem>>
    %dma_start3A_12 = tpu.memref_squeeze %dma_start3A_11 : memref<1x80xi32, #tpu.memory_space<vmem>> -> memref<80xi32, #tpu.memory_space<vmem>>
    %dma_start3A_13 = arith.constant 0 : i32
    %dma_start3A_14 = arith.constant 0 : i32
    %dma_start3A_15 = tpu.memref_slice %arg2[%dma_start3A_13, %dma_start3A_14] : memref<10000x64xf32, #tpu.memory_space<hbm>> -> memref<10000x64xf32, #tpu.memory_space<hbm>>
    %dma_start3A_16 = tpu.memref_slice %arg10[%dma_start3A_5] : memref<12x!tpu.dma_semaphore, #tpu.memory_space<semaphore_mem>> -> memref<1x!tpu.dma_semaphore, #tpu.memory_space<semaphore_mem>>
    %dma_start3A_17 = tpu.memref_squeeze %dma_start3A_16 : memref<1x!tpu.dma_semaphore, #tpu.memory_space<semaphore_mem>> -> memref<!tpu.dma_semaphore, #tpu.memory_space<semaphore_mem>>
    tpu.enqueue_indirect_dma source(%dma_start3A_15 : memref<10000x64xf32, #tpu.memory_space<hbm>>) target(%dma_start3A_9 : memref<80x64xf32, #tpu.memory_space<vmem>>) offsets(%dma_start3A_12 : memref<80xi32, #tpu.memory_space<vmem>>) semaphore(%dma_start3A_17 : memref<!tpu.dma_semaphore, #tpu.memory_space<semaphore_mem>>)
    %dma_start3A_18 = arith.constant 1 : i32
    %dma_start3A_19 = arith.constant 1 : i32
    %dma_start3A_20 = arith.constant 1 : i32
    %dma_start3A_21 = arith.constant 0 : i32
    %dma_start3A_22 = arith.constant 0 : i32
    %dma_start3A_23 = tpu.memref_slice %arg8[%dma_start3A_19, %dma_start3A_21, %dma_start3A_22] : memref<12x80x64xf32, #tpu.memory_space<vmem>> -> memref<1x80x64xf32, #tpu.memory_space<vmem>>
    %dma_start3A_24 = tpu.memref_squeeze %dma_start3A_23 : memref<1x80x64xf32, #tpu.memory_space<vmem>> -> memref<80x64xf32, #tpu.memory_space<vmem>>
    %dma_start3A_25 = arith.constant 0 : i32
    %dma_start3A_26 = tpu.memref_slice %arg6[%dma_start3A_18, %dma_start3A_25] : memref<125x80xi32, #tpu.memory_space<vmem>> -> memref<1x80xi32, #tpu.memory_space<vmem>>
    %dma_start3A_27 = tpu.memref_squeeze %dma_start3A_26 : memref<1x80xi32, #tpu.memory_space<vmem>> -> memref<80xi32, #tpu.memory_space<vmem>>
    %dma_start3A_28 = arith.constant 0 : i32
    %dma_start3A_29 = arith.constant 0 : i32
    %dma_start3A_30 = tpu.memref_slice %arg2[%dma_start3A_28, %dma_start3A_29] : memref<10000x64xf32, #tpu.memory_space<hbm>> -> memref<10000x64xf32, #tpu.memory_space<hbm>>
    %dma_start3A_31 = tpu.memref_slice %arg10[%dma_start3A_20] : memref<12x!tpu.dma_semaphore, #tpu.memory_space<semaphore_mem>> -> memref<1x!tpu.dma_semaphore, #tpu.memory_space<semaphore_mem>>
    %dma_start3A_32 = tpu.memref_squeeze %dma_start3A_31 : memref<1x!tpu.dma_semaphore, #tpu.memory_space<semaphore_mem>> -> memref<!tpu.dma_semaphore, #tpu.memory_space<semaphore_mem>>
    tpu.enqueue_indirect_dma source(%dma_start3A_30 : memref<10000x64xf32, #tpu.memory_space<hbm>>) target(%dma_start3A_24 : memref<80x64xf32, #tpu.memory_space<vmem>>) offsets(%dma_start3A_27 : memref<80xi32, #tpu.memory_space<vmem>>) semaphore(%dma_start3A_32 : memref<!tpu.dma_semaphore, #tpu.memory_space<semaphore_mem>>)
    %dma_start3A_33 = arith.constant 2 : i32
    %dma_start3A_34 = arith.constant 2 : i32
    %dma_start3A_35 = arith.constant 2 : i32
    %dma_start3A_36 = arith.constant 0 : i32
    %dma_start3A_37 = arith.constant 0 : i32
    %dma_start3A_38 = tpu.memref_slice %arg8[%dma_start3A_34, %dma_start3A_36, %dma_start3A_37] : memref<12x80x64xf32, #tpu.memory_space<vmem>> -> memref<1x80x64xf32, #tpu.memory_space<vmem>>
    %dma_start3A_39 = tpu.memref_squeeze %dma_start3A_38 : memref<1x80x64xf32, #tpu.memory_space<vmem>> -> memref<80x64xf32, #tpu.memory_space<vmem>>
    %dma_start3A_40 = arith.constant 0 : i32
    %dma_start3A_41 = tpu.memref_slice %arg6[%dma_start3A_33, %dma_start3A_40] : memref<125x80xi32, #tpu.memory_space<vmem>> -> memref<1x80xi32, #tpu.memory_space<vmem>>
    %dma_start3A_42 = tpu.memref_squeeze %dma_start3A_41 : memref<1x80xi32, #tpu.memory_space<vmem>> -> memref<80xi32, #tpu.memory_space<vmem>>
    %dma_start3A_43 = arith.constant 0 : i32
    %dma_start3A_44 = arith.constant 0 : i32
    %dma_start3A_45 = tpu.memref_slice %arg2[%dma_start3A_43, %dma_start3A_44] : memref<10000x64xf32, #tpu.memory_space<hbm>> -> memref<10000x64xf32, #tpu.memory_space<hbm>>
    %dma_start3A_46 = tpu.memref_slice %arg10[%dma_start3A_35] : memref<12x!tpu.dma_semaphore, #tpu.memory_space<semaphore_mem>> -> memref<1x!tpu.dma_semaphore, #tpu.memory_space<semaphore_mem>>
    %dma_start3A_47 = tpu.memref_squeeze %dma_start3A_46 : memref<1x!tpu.dma_semaphore, #tpu.memory_space<semaphore_mem>> -> memref<!tpu.dma_semaphore, #tpu.memory_space<semaphore_mem>>
    tpu.enqueue_indirect_dma source(%dma_start3A_45 : memref<10000x64xf32, #tpu.memory_space<hbm>>) target(%dma_start3A_39 : memref<80x64xf32, #tpu.memory_space<vmem>>) offsets(%dma_start3A_42 : memref<80xi32, #tpu.memory_space<vmem>>) semaphore(%dma_start3A_47 : memref<!tpu.dma_semaphore, #tpu.memory_space<semaphore_mem>>)
    %dma_start3A_48 = arith.constant 3 : i32
    %dma_start3A_49 = arith.constant 3 : i32
    %dma_start3A_50 = arith.constant 3 : i32
    %dma_start3A_51 = arith.constant 0 : i32
    %dma_start3A_52 = arith.constant 0 : i32
    %dma_start3A_53 = tpu.memref_slice %arg8[%dma_start3A_49, %dma_start3A_51, %dma_start3A_52] : memref<12x80x64xf32, #tpu.memory_space<vmem>> -> memref<1x80x64xf32, #tpu.memory_space<vmem>>
    %dma_start3A_54 = tpu.memref_squeeze %dma_start3A_53 : memref<1x80x64xf32, #tpu.memory_space<vmem>> -> memref<80x64xf32, #tpu.memory_space<vmem>>
    %dma_start3A_55 = arith.constant 0 : i32
    %dma_start3A_56 = tpu.memref_slice %arg6[%dma_start3A_48, %dma_start3A_55] : memref<125x80xi32, #tpu.memory_space<vmem>> -> memref<1x80xi32, #tpu.memory_space<vmem>>
    %dma_start3A_57 = tpu.memref_squeeze %dma_start3A_56 : memref<1x80xi32, #tpu.memory_space<vmem>> -> memref<80xi32, #tpu.memory_space<vmem>>
    %dma_start3A_58 = arith.constant 0 : i32
    %dma_start3A_59 = arith.constant 0 : i32
    %dma_start3A_60 = tpu.memref_slice %arg2[%dma_start3A_58, %dma_start3A_59] : memref<10000x64xf32, #tpu.memory_space<hbm>> -> memref<10000x64xf32, #tpu.memory_space<hbm>>
    %dma_start3A_61 = tpu.memref_slice %arg10[%dma_start3A_50] : memref<12x!tpu.dma_semaphore, #tpu.memory_space<semaphore_mem>> -> memref<1x!tpu.dma_semaphore, #tpu.memory_space<semaphore_mem>>
    %dma_start3A_62 = tpu.memref_squeeze %dma_start3A_61 : memref<1x!tpu.dma_semaphore, #tpu.memory_space<semaphore_mem>> -> memref<!tpu.dma_semaphore, #tpu.memory_space<semaphore_mem>>
    tpu.enqueue_indirect_dma source(%dma_start3A_60 : memref<10000x64xf32, #tpu.memory_space<hbm>>) target(%dma_start3A_54 : memref<80x64xf32, #tpu.memory_space<vmem>>) offsets(%dma_start3A_57 : memref<80xi32, #tpu.memory_space<vmem>>) semaphore(%dma_start3A_62 : memref<!tpu.dma_semaphore, #tpu.memory_space<semaphore_mem>>)
    %dma_start3A_63 = arith.constant 4 : i32
    %dma_start3A_64 = arith.constant 4 : i32
    %dma_start3A_65 = arith.constant 4 : i32
    %dma_start3A_66 = arith.constant 0 : i32
    %dma_start3A_67 = arith.constant 0 : i32
    %dma_start3A_68 = tpu.memref_slice %arg8[%dma_start3A_64, %dma_start3A_66, %dma_start3A_67] : memref<12x80x64xf32, #tpu.memory_space<vmem>> -> memref<1x80x64xf32, #tpu.memory_space<vmem>>
    %dma_start3A_69 = tpu.memref_squeeze %dma_start3A_68 : memref<1x80x64xf32, #tpu.memory_space<vmem>> -> memref<80x64xf32, #tpu.memory_space<vmem>>
    %dma_start3A_70 = arith.constant 0 : i32
    %dma_start3A_71 = tpu.memref_slice %arg6[%dma_start3A_63, %dma_start3A_70] : memref<125x80xi32, #tpu.memory_space<vmem>> -> memref<1x80xi32, #tpu.memory_space<vmem>>
    %dma_start3A_72 = tpu.memref_squeeze %dma_start3A_71 : memref<1x80xi32, #tpu.memory_space<vmem>> -> memref<80xi32, #tpu.memory_space<vmem>>
    %dma_start3A_73 = arith.constant 0 : i32
    %dma_start3A_74 = arith.constant 0 : i32
    %dma_start3A_75 = tpu.memref_slice %arg2[%dma_start3A_73, %dma_start3A_74] : memref<10000x64xf32, #tpu.memory_space<hbm>> -> memref<10000x64xf32, #tpu.memory_space<hbm>>
    %dma_start3A_76 = tpu.memref_slice %arg10[%dma_start3A_65] : memref<12x!tpu.dma_semaphore, #tpu.memory_space<semaphore_mem>> -> memref<1x!tpu.dma_semaphore, #tpu.memory_space<semaphore_mem>>
    %dma_start3A_77 = tpu.memref_squeeze %dma_start3A_76 : memref<1x!tpu.dma_semaphore, #tpu.memory_space<semaphore_mem>> -> memref<!tpu.dma_semaphore, #tpu.memory_space<semaphore_mem>>
    tpu.enqueue_indirect_dma source(%dma_start3A_75 : memref<10000x64xf32, #tpu.memory_space<hbm>>) target(%dma_start3A_69 : memref<80x64xf32, #tpu.memory_space<vmem>>) offsets(%dma_start3A_72 : memref<80xi32, #tpu.memory_space<vmem>>) semaphore(%dma_start3A_77 : memref<!tpu.dma_semaphore, #tpu.memory_space<semaphore_mem>>)
    %dma_start3A_78 = arith.constant 5 : i32
    %dma_start3A_79 = arith.constant 5 : i32
    %dma_start3A_80 = arith.constant 5 : i32
    %dma_start3A_81 = arith.constant 0 : i32
    %dma_start3A_82 = arith.constant 0 : i32
    %dma_start3A_83 = tpu.memref_slice %arg8[%dma_start3A_79, %dma_start3A_81, %dma_start3A_82] : memref<12x80x64xf32, #tpu.memory_space<vmem>> -> memref<1x80x64xf32, #tpu.memory_space<vmem>>
    %dma_start3A_84 = tpu.memref_squeeze %dma_start3A_83 : memref<1x80x64xf32, #tpu.memory_space<vmem>> -> memref<80x64xf32, #tpu.memory_space<vmem>>
    %dma_start3A_85 = arith.constant 0 : i32
    %dma_start3A_86 = tpu.memref_slice %arg6[%dma_start3A_78, %dma_start3A_85] : memref<125x80xi32, #tpu.memory_space<vmem>> -> memref<1x80xi32, #tpu.memory_space<vmem>>
    %dma_start3A_87 = tpu.memref_squeeze %dma_start3A_86 : memref<1x80xi32, #tpu.memory_space<vmem>> -> memref<80xi32, #tpu.memory_space<vmem>>
    %dma_start3A_88 = arith.constant 0 : i32
    %dma_start3A_89 = arith.constant 0 : i32
    %dma_start3A_90 = tpu.memref_slice %arg2[%dma_start3A_88, %dma_start3A_89] : memref<10000x64xf32, #tpu.memory_space<hbm>> -> memref<10000x64xf32, #tpu.memory_space<hbm>>
    %dma_start3A_91 = tpu.memref_slice %arg10[%dma_start3A_80] : memref<12x!tpu.dma_semaphore, #tpu.memory_space<semaphore_mem>> -> memref<1x!tpu.dma_semaphore, #tpu.memory_space<semaphore_mem>>
    %dma_start3A_92 = tpu.memref_squeeze %dma_start3A_91 : memref<1x!tpu.dma_semaphore, #tpu.memory_space<semaphore_mem>> -> memref<!tpu.dma_semaphore, #tpu.memory_space<semaphore_mem>>
    tpu.enqueue_indirect_dma source(%dma_start3A_90 : memref<10000x64xf32, #tpu.memory_space<hbm>>) target(%dma_start3A_84 : memref<80x64xf32, #tpu.memory_space<vmem>>) offsets(%dma_start3A_87 : memref<80xi32, #tpu.memory_space<vmem>>) semaphore(%dma_start3A_92 : memref<!tpu.dma_semaphore, #tpu.memory_space<semaphore_mem>>)
    %scan3A = arith.constant 0 : i32
    %scan3A_93 = arith.constant 0 : i32
    %scan3A_94 = arith.constant 125 : i32
    %scan3A_95 = arith.addi %scan3A_93, %scan3A_94 : i32
    %scan3A_96 = arith.constant 1 : i32
    scf.for %scan3A_188 = %scan3A_93 to %scan3A_95 step %scan3A_96  : i32 {
      %rem3A = arith.constant 12 : i32
      %rem3A_189 = arith.remsi %scan3A_188, %rem3A : i32
      %add3A_190 = arith.constant 6 : i32
      %add3A_191 = arith.addi %scan3A_188, %add3A_190 : i32
      %rem3A_192 = arith.constant 12 : i32
      %rem3A_193 = arith.remsi %add3A_191, %rem3A_192 : i32
      %dma_wait3A_194 = arith.constant 0 : i32
      %dma_wait3A_195 = arith.constant 0 : i32
      %dma_wait3A_196 = tpu.memref_slice %arg8[%rem3A_189, %dma_wait3A_194, %dma_wait3A_195] : memref<12x80x64xf32, #tpu.memory_space<vmem>> -> memref<1x80x64xf32, #tpu.memory_space<vmem>>
      %dma_wait3A_197 = tpu.memref_squeeze %dma_wait3A_196 : memref<1x80x64xf32, #tpu.memory_space<vmem>> -> memref<80x64xf32, #tpu.memory_space<vmem>>
      %dma_wait3A_198 = arith.constant 0 : i32
      %dma_wait3A_199 = tpu.memref_slice %arg6[%scan3A_188, %dma_wait3A_198] : memref<125x80xi32, #tpu.memory_space<vmem>> -> memref<1x80xi32, #tpu.memory_space<vmem>>
      %dma_wait3A_200 = tpu.memref_squeeze %dma_wait3A_199 : memref<1x80xi32, #tpu.memory_space<vmem>> -> memref<80xi32, #tpu.memory_space<vmem>>
      %dma_wait3A_201 = arith.constant 0 : i32
      %dma_wait3A_202 = arith.constant 0 : i32
      %dma_wait3A_203 = tpu.memref_slice %arg2[%dma_wait3A_201, %dma_wait3A_202] : memref<10000x64xf32, #tpu.memory_space<hbm>> -> memref<10000x64xf32, #tpu.memory_space<hbm>>
      %dma_wait3A_204 = tpu.memref_slice %arg10[%rem3A_189] : memref<12x!tpu.dma_semaphore, #tpu.memory_space<semaphore_mem>> -> memref<1x!tpu.dma_semaphore, #tpu.memory_space<semaphore_mem>>
      %dma_wait3A_205 = tpu.memref_squeeze %dma_wait3A_204 : memref<1x!tpu.dma_semaphore, #tpu.memory_space<semaphore_mem>> -> memref<!tpu.dma_semaphore, #tpu.memory_space<semaphore_mem>>
      tpu.wait_indirect_dma semaphore(%dma_wait3A_205 : memref<!tpu.dma_semaphore, #tpu.memory_space<semaphore_mem>>) src(%dma_wait3A_203 : memref<10000x64xf32, #tpu.memory_space<hbm>>) dst(%dma_wait3A_197 : memref<80x64xf32, #tpu.memory_space<vmem>>)
      %dma_start3A_206 = arith.constant 0 : i32
      %dma_start3A_207 = arith.constant 0 : i32
      %dma_start3A_208 = tpu.memref_slice %arg8[%rem3A_189, %dma_start3A_206, %dma_start3A_207] : memref<12x80x64xf32, #tpu.memory_space<vmem>> -> memref<1x80x64xf32, #tpu.memory_space<vmem>>
      %dma_start3A_209 = tpu.memref_squeeze %dma_start3A_208 : memref<1x80x64xf32, #tpu.memory_space<vmem>> -> memref<80x64xf32, #tpu.memory_space<vmem>>
      %dma_start3A_210 = arith.constant 0 : i32
      %dma_start3A_211 = tpu.memref_slice %arg7[%scan3A_188, %dma_start3A_210] : memref<125x80xi32, #tpu.memory_space<vmem>> -> memref<1x80xi32, #tpu.memory_space<vmem>>
      %dma_start3A_212 = tpu.memref_squeeze %dma_start3A_211 : memref<1x80xi32, #tpu.memory_space<vmem>> -> memref<80xi32, #tpu.memory_space<vmem>>
      %dma_start3A_213 = arith.constant 0 : i32
      %dma_start3A_214 = arith.constant 0 : i32
      %dma_start3A_215 = tpu.memref_slice %arg9[%dma_start3A_213, %dma_start3A_214] : memref<10000x64xf32, #tpu.memory_space<vmem_shared>> -> memref<10000x64xf32, #tpu.memory_space<vmem_shared>>
      %dma_start3A_216 = tpu.memref_slice %arg11[%rem3A_189] : memref<12x!tpu.dma_semaphore, #tpu.memory_space<semaphore_mem>> -> memref<1x!tpu.dma_semaphore, #tpu.memory_space<semaphore_mem>>
      %dma_start3A_217 = tpu.memref_squeeze %dma_start3A_216 : memref<1x!tpu.dma_semaphore, #tpu.memory_space<semaphore_mem>> -> memref<!tpu.dma_semaphore, #tpu.memory_space<semaphore_mem>>
      tpu.enqueue_indirect_dma source(%dma_start3A_209 : memref<80x64xf32, #tpu.memory_space<vmem>>) target(%dma_start3A_215 : memref<10000x64xf32, #tpu.memory_space<vmem_shared>>) offsets(%dma_start3A_212 : memref<80xi32, #tpu.memory_space<vmem>>) semaphore(%dma_start3A_217 : memref<!tpu.dma_semaphore, #tpu.memory_space<semaphore_mem>>) {add = true}
      %ge3A = arith.constant 6 : i32
      %ge3A_218 = arith.cmpi sge, %scan3A_188, %ge3A : i32
      %convert_element_type3A = arith.extui %ge3A_218 : i1 to i32
      %cond3A = arith.constant 0 : i32
      %cond3A_219 = arith.cmpi ne, %convert_element_type3A, %cond3A : i32
      scf.if %cond3A_219 {
        %sub3A = arith.constant 6 : i32
        %sub3A_226 = arith.subi %scan3A_188, %sub3A : i32
        %dma_wait3A_227 = arith.constant 0 : i32
        %dma_wait3A_228 = arith.constant 0 : i32
        %dma_wait3A_229 = tpu.memref_slice %arg8[%rem3A_193, %dma_wait3A_227, %dma_wait3A_228] : memref<12x80x64xf32, #tpu.memory_space<vmem>> -> memref<1x80x64xf32, #tpu.memory_space<vmem>>
        %dma_wait3A_230 = tpu.memref_squeeze %dma_wait3A_229 : memref<1x80x64xf32, #tpu.memory_space<vmem>> -> memref<80x64xf32, #tpu.memory_space<vmem>>
        %dma_wait3A_231 = arith.constant 0 : i32
        %dma_wait3A_232 = tpu.memref_slice %arg7[%sub3A_226, %dma_wait3A_231] : memref<125x80xi32, #tpu.memory_space<vmem>> -> memref<1x80xi32, #tpu.memory_space<vmem>>
        %dma_wait3A_233 = tpu.memref_squeeze %dma_wait3A_232 : memref<1x80xi32, #tpu.memory_space<vmem>> -> memref<80xi32, #tpu.memory_space<vmem>>
        %dma_wait3A_234 = arith.constant 0 : i32
        %dma_wait3A_235 = arith.constant 0 : i32
        %dma_wait3A_236 = tpu.memref_slice %arg9[%dma_wait3A_234, %dma_wait3A_235] : memref<10000x64xf32, #tpu.memory_space<vmem_shared>> -> memref<10000x64xf32, #tpu.memory_space<vmem_shared>>
        %dma_wait3A_237 = tpu.memref_slice %arg11[%rem3A_193] : memref<12x!tpu.dma_semaphore, #tpu.memory_space<semaphore_mem>> -> memref<1x!tpu.dma_semaphore, #tpu.memory_space<semaphore_mem>>
        %dma_wait3A_238 = tpu.memref_squeeze %dma_wait3A_237 : memref<1x!tpu.dma_semaphore, #tpu.memory_space<semaphore_mem>> -> memref<!tpu.dma_semaphore, #tpu.memory_space<semaphore_mem>>
        tpu.wait_indirect_dma semaphore(%dma_wait3A_238 : memref<!tpu.dma_semaphore, #tpu.memory_space<semaphore_mem>>) src(%dma_wait3A_230 : memref<80x64xf32, #tpu.memory_space<vmem>>) dst(%dma_wait3A_236 : memref<10000x64xf32, #tpu.memory_space<vmem_shared>>)
      } else {
      }
      %add3A_220 = arith.constant 6 : i32
      %add3A_221 = arith.addi %scan3A_188, %add3A_220 : i32
      %lt3A = arith.constant 125 : i32
      %lt3A_222 = arith.cmpi slt, %add3A_221, %lt3A : i32
      %convert_element_type3A_223 = arith.extui %lt3A_222 : i1 to i32
      %cond3A_224 = arith.constant 0 : i32
      %cond3A_225 = arith.cmpi ne, %convert_element_type3A_223, %cond3A_224 : i32
      scf.if %cond3A_225 {
        %add3A_226 = arith.constant 6 : i32
        %add3A_227 = arith.addi %scan3A_188, %add3A_226 : i32
        %dma_start3A_228 = arith.constant 0 : i32
        %dma_start3A_229 = arith.constant 0 : i32
        %dma_start3A_230 = tpu.memref_slice %arg8[%rem3A_193, %dma_start3A_228, %dma_start3A_229] : memref<12x80x64xf32, #tpu.memory_space<vmem>> -> memref<1x80x64xf32, #tpu.memory_space<vmem>>
        %dma_start3A_231 = tpu.memref_squeeze %dma_start3A_230 : memref<1x80x64xf32, #tpu.memory_space<vmem>> -> memref<80x64xf32, #tpu.memory_space<vmem>>
        %dma_start3A_232 = arith.constant 0 : i32
        %dma_start3A_233 = tpu.memref_slice %arg6[%add3A_227, %dma_start3A_232] : memref<125x80xi32, #tpu.memory_space<vmem>> -> memref<1x80xi32, #tpu.memory_space<vmem>>
        %dma_start3A_234 = tpu.memref_squeeze %dma_start3A_233 : memref<1x80xi32, #tpu.memory_space<vmem>> -> memref<80xi32, #tpu.memory_space<vmem>>
        %dma_start3A_235 = arith.constant 0 : i32
        %dma_start3A_236 = arith.constant 0 : i32
        %dma_start3A_237 = tpu.memref_slice %arg2[%dma_start3A_235, %dma_start3A_236] : memref<10000x64xf32, #tpu.memory_space<hbm>> -> memref<10000x64xf32, #tpu.memory_space<hbm>>
        %dma_start3A_238 = tpu.memref_slice %arg10[%rem3A_193] : memref<12x!tpu.dma_semaphore, #tpu.memory_space<semaphore_mem>> -> memref<1x!tpu.dma_semaphore, #tpu.memory_space<semaphore_mem>>
        %dma_start3A_239 = tpu.memref_squeeze %dma_start3A_238 : memref<1x!tpu.dma_semaphore, #tpu.memory_space<semaphore_mem>> -> memref<!tpu.dma_semaphore, #tpu.memory_space<semaphore_mem>>
        tpu.enqueue_indirect_dma source(%dma_start3A_237 : memref<10000x64xf32, #tpu.memory_space<hbm>>) target(%dma_start3A_231 : memref<80x64xf32, #tpu.memory_space<vmem>>) offsets(%dma_start3A_234 : memref<80xi32, #tpu.memory_space<vmem>>) semaphore(%dma_start3A_239 : memref<!tpu.dma_semaphore, #tpu.memory_space<semaphore_mem>>)
      } else {
      }
    }
    %scan3A_97 = arith.constant 125 : i32
    %dma_wait3A = arith.constant 11 : i32
    %dma_wait3A_98 = arith.constant 119 : i32
    %dma_wait3A_99 = arith.constant 11 : i32
    %dma_wait3A_100 = arith.constant 0 : i32
    %dma_wait3A_101 = arith.constant 0 : i32
    %dma_wait3A_102 = tpu.memref_slice %arg8[%dma_wait3A, %dma_wait3A_100, %dma_wait3A_101] : memref<12x80x64xf32, #tpu.memory_space<vmem>> -> memref<1x80x64xf32, #tpu.memory_space<vmem>>
    %dma_wait3A_103 = tpu.memref_squeeze %dma_wait3A_102 : memref<1x80x64xf32, #tpu.memory_space<vmem>> -> memref<80x64xf32, #tpu.memory_space<vmem>>
    %dma_wait3A_104 = arith.constant 0 : i32
    %dma_wait3A_105 = tpu.memref_slice %arg7[%dma_wait3A_98, %dma_wait3A_104] : memref<125x80xi32, #tpu.memory_space<vmem>> -> memref<1x80xi32, #tpu.memory_space<vmem>>
    %dma_wait3A_106 = tpu.memref_squeeze %dma_wait3A_105 : memref<1x80xi32, #tpu.memory_space<vmem>> -> memref<80xi32, #tpu.memory_space<vmem>>
    %dma_wait3A_107 = arith.constant 0 : i32
    %dma_wait3A_108 = arith.constant 0 : i32
    %dma_wait3A_109 = tpu.memref_slice %arg9[%dma_wait3A_107, %dma_wait3A_108] : memref<10000x64xf32, #tpu.memory_space<vmem_shared>> -> memref<10000x64xf32, #tpu.memory_space<vmem_shared>>
    %dma_wait3A_110 = tpu.memref_slice %arg11[%dma_wait3A_99] : memref<12x!tpu.dma_semaphore, #tpu.memory_space<semaphore_mem>> -> memref<1x!tpu.dma_semaphore, #tpu.memory_space<semaphore_mem>>
    %dma_wait3A_111 = tpu.memref_squeeze %dma_wait3A_110 : memref<1x!tpu.dma_semaphore, #tpu.memory_space<semaphore_mem>> -> memref<!tpu.dma_semaphore, #tpu.memory_space<semaphore_mem>>
    tpu.wait_indirect_dma semaphore(%dma_wait3A_111 : memref<!tpu.dma_semaphore, #tpu.memory_space<semaphore_mem>>) src(%dma_wait3A_103 : memref<80x64xf32, #tpu.memory_space<vmem>>) dst(%dma_wait3A_109 : memref<10000x64xf32, #tpu.memory_space<vmem_shared>>)
    %dma_wait3A_112 = arith.constant 0 : i32
    %dma_wait3A_113 = arith.constant 120 : i32
    %dma_wait3A_114 = arith.constant 0 : i32
    %dma_wait3A_115 = arith.constant 0 : i32
    %dma_wait3A_116 = arith.constant 0 : i32
    %dma_wait3A_117 = tpu.memref_slice %arg8[%dma_wait3A_112, %dma_wait3A_115, %dma_wait3A_116] : memref<12x80x64xf32, #tpu.memory_space<vmem>> -> memref<1x80x64xf32, #tpu.memory_space<vmem>>
    %dma_wait3A_118 = tpu.memref_squeeze %dma_wait3A_117 : memref<1x80x64xf32, #tpu.memory_space<vmem>> -> memref<80x64xf32, #tpu.memory_space<vmem>>
    %dma_wait3A_119 = arith.constant 0 : i32
    %dma_wait3A_120 = tpu.memref_slice %arg7[%dma_wait3A_113, %dma_wait3A_119] : memref<125x80xi32, #tpu.memory_space<vmem>> -> memref<1x80xi32, #tpu.memory_space<vmem>>
    %dma_wait3A_121 = tpu.memref_squeeze %dma_wait3A_120 : memref<1x80xi32, #tpu.memory_space<vmem>> -> memref<80xi32, #tpu.memory_space<vmem>>
    %dma_wait3A_122 = arith.constant 0 : i32
    %dma_wait3A_123 = arith.constant 0 : i32
    %dma_wait3A_124 = tpu.memref_slice %arg9[%dma_wait3A_122, %dma_wait3A_123] : memref<10000x64xf32, #tpu.memory_space<vmem_shared>> -> memref<10000x64xf32, #tpu.memory_space<vmem_shared>>
    %dma_wait3A_125 = tpu.memref_slice %arg11[%dma_wait3A_114] : memref<12x!tpu.dma_semaphore, #tpu.memory_space<semaphore_mem>> -> memref<1x!tpu.dma_semaphore, #tpu.memory_space<semaphore_mem>>
    %dma_wait3A_126 = tpu.memref_squeeze %dma_wait3A_125 : memref<1x!tpu.dma_semaphore, #tpu.memory_space<semaphore_mem>> -> memref<!tpu.dma_semaphore, #tpu.memory_space<semaphore_mem>>
    tpu.wait_indirect_dma semaphore(%dma_wait3A_126 : memref<!tpu.dma_semaphore, #tpu.memory_space<semaphore_mem>>) src(%dma_wait3A_118 : memref<80x64xf32, #tpu.memory_space<vmem>>) dst(%dma_wait3A_124 : memref<10000x64xf32, #tpu.memory_space<vmem_shared>>)
    %dma_wait3A_127 = arith.constant 1 : i32
    %dma_wait3A_128 = arith.constant 121 : i32
    %dma_wait3A_129 = arith.constant 1 : i32
    %dma_wait3A_130 = arith.constant 0 : i32
    %dma_wait3A_131 = arith.constant 0 : i32
    %dma_wait3A_132 = tpu.memref_slice %arg8[%dma_wait3A_127, %dma_wait3A_130, %dma_wait3A_131] : memref<12x80x64xf32, #tpu.memory_space<vmem>> -> memref<1x80x64xf32, #tpu.memory_space<vmem>>
    %dma_wait3A_133 = tpu.memref_squeeze %dma_wait3A_132 : memref<1x80x64xf32, #tpu.memory_space<vmem>> -> memref<80x64xf32, #tpu.memory_space<vmem>>
    %dma_wait3A_134 = arith.constant 0 : i32
    %dma_wait3A_135 = tpu.memref_slice %arg7[%dma_wait3A_128, %dma_wait3A_134] : memref<125x80xi32, #tpu.memory_space<vmem>> -> memref<1x80xi32, #tpu.memory_space<vmem>>
    %dma_wait3A_136 = tpu.memref_squeeze %dma_wait3A_135 : memref<1x80xi32, #tpu.memory_space<vmem>> -> memref<80xi32, #tpu.memory_space<vmem>>
    %dma_wait3A_137 = arith.constant 0 : i32
    %dma_wait3A_138 = arith.constant 0 : i32
    %dma_wait3A_139 = tpu.memref_slice %arg9[%dma_wait3A_137, %dma_wait3A_138] : memref<10000x64xf32, #tpu.memory_space<vmem_shared>> -> memref<10000x64xf32, #tpu.memory_space<vmem_shared>>
    %dma_wait3A_140 = tpu.memref_slice %arg11[%dma_wait3A_129] : memref<12x!tpu.dma_semaphore, #tpu.memory_space<semaphore_mem>> -> memref<1x!tpu.dma_semaphore, #tpu.memory_space<semaphore_mem>>
    %dma_wait3A_141 = tpu.memref_squeeze %dma_wait3A_140 : memref<1x!tpu.dma_semaphore, #tpu.memory_space<semaphore_mem>> -> memref<!tpu.dma_semaphore, #tpu.memory_space<semaphore_mem>>
    tpu.wait_indirect_dma semaphore(%dma_wait3A_141 : memref<!tpu.dma_semaphore, #tpu.memory_space<semaphore_mem>>) src(%dma_wait3A_133 : memref<80x64xf32, #tpu.memory_space<vmem>>) dst(%dma_wait3A_139 : memref<10000x64xf32, #tpu.memory_space<vmem_shared>>)
    %dma_wait3A_142 = arith.constant 2 : i32
    %dma_wait3A_143 = arith.constant 122 : i32
    %dma_wait3A_144 = arith.constant 2 : i32
    %dma_wait3A_145 = arith.constant 0 : i32
    %dma_wait3A_146 = arith.constant 0 : i32
    %dma_wait3A_147 = tpu.memref_slice %arg8[%dma_wait3A_142, %dma_wait3A_145, %dma_wait3A_146] : memref<12x80x64xf32, #tpu.memory_space<vmem>> -> memref<1x80x64xf32, #tpu.memory_space<vmem>>
    %dma_wait3A_148 = tpu.memref_squeeze %dma_wait3A_147 : memref<1x80x64xf32, #tpu.memory_space<vmem>> -> memref<80x64xf32, #tpu.memory_space<vmem>>
    %dma_wait3A_149 = arith.constant 0 : i32
    %dma_wait3A_150 = tpu.memref_slice %arg7[%dma_wait3A_143, %dma_wait3A_149] : memref<125x80xi32, #tpu.memory_space<vmem>> -> memref<1x80xi32, #tpu.memory_space<vmem>>
    %dma_wait3A_151 = tpu.memref_squeeze %dma_wait3A_150 : memref<1x80xi32, #tpu.memory_space<vmem>> -> memref<80xi32, #tpu.memory_space<vmem>>
    %dma_wait3A_152 = arith.constant 0 : i32
    %dma_wait3A_153 = arith.constant 0 : i32
    %dma_wait3A_154 = tpu.memref_slice %arg9[%dma_wait3A_152, %dma_wait3A_153] : memref<10000x64xf32, #tpu.memory_space<vmem_shared>> -> memref<10000x64xf32, #tpu.memory_space<vmem_shared>>
    %dma_wait3A_155 = tpu.memref_slice %arg11[%dma_wait3A_144] : memref<12x!tpu.dma_semaphore, #tpu.memory_space<semaphore_mem>> -> memref<1x!tpu.dma_semaphore, #tpu.memory_space<semaphore_mem>>
    %dma_wait3A_156 = tpu.memref_squeeze %dma_wait3A_155 : memref<1x!tpu.dma_semaphore, #tpu.memory_space<semaphore_mem>> -> memref<!tpu.dma_semaphore, #tpu.memory_space<semaphore_mem>>
    tpu.wait_indirect_dma semaphore(%dma_wait3A_156 : memref<!tpu.dma_semaphore, #tpu.memory_space<semaphore_mem>>) src(%dma_wait3A_148 : memref<80x64xf32, #tpu.memory_space<vmem>>) dst(%dma_wait3A_154 : memref<10000x64xf32, #tpu.memory_space<vmem_shared>>)
    %dma_wait3A_157 = arith.constant 3 : i32
    %dma_wait3A_158 = arith.constant 123 : i32
    %dma_wait3A_159 = arith.constant 3 : i32
    %dma_wait3A_160 = arith.constant 0 : i32
    %dma_wait3A_161 = arith.constant 0 : i32
    %dma_wait3A_162 = tpu.memref_slice %arg8[%dma_wait3A_157, %dma_wait3A_160, %dma_wait3A_161] : memref<12x80x64xf32, #tpu.memory_space<vmem>> -> memref<1x80x64xf32, #tpu.memory_space<vmem>>
    %dma_wait3A_163 = tpu.memref_squeeze %dma_wait3A_162 : memref<1x80x64xf32, #tpu.memory_space<vmem>> -> memref<80x64xf32, #tpu.memory_space<vmem>>
    %dma_wait3A_164 = arith.constant 0 : i32
    %dma_wait3A_165 = tpu.memref_slice %arg7[%dma_wait3A_158, %dma_wait3A_164] : memref<125x80xi32, #tpu.memory_space<vmem>> -> memref<1x80xi32, #tpu.memory_space<vmem>>
    %dma_wait3A_166 = tpu.memref_squeeze %dma_wait3A_165 : memref<1x80xi32, #tpu.memory_space<vmem>> -> memref<80xi32, #tpu.memory_space<vmem>>
    %dma_wait3A_167 = arith.constant 0 : i32
    %dma_wait3A_168 = arith.constant 0 : i32
    %dma_wait3A_169 = tpu.memref_slice %arg9[%dma_wait3A_167, %dma_wait3A_168] : memref<10000x64xf32, #tpu.memory_space<vmem_shared>> -> memref<10000x64xf32, #tpu.memory_space<vmem_shared>>
    %dma_wait3A_170 = tpu.memref_slice %arg11[%dma_wait3A_159] : memref<12x!tpu.dma_semaphore, #tpu.memory_space<semaphore_mem>> -> memref<1x!tpu.dma_semaphore, #tpu.memory_space<semaphore_mem>>
    %dma_wait3A_171 = tpu.memref_squeeze %dma_wait3A_170 : memref<1x!tpu.dma_semaphore, #tpu.memory_space<semaphore_mem>> -> memref<!tpu.dma_semaphore, #tpu.memory_space<semaphore_mem>>
    tpu.wait_indirect_dma semaphore(%dma_wait3A_171 : memref<!tpu.dma_semaphore, #tpu.memory_space<semaphore_mem>>) src(%dma_wait3A_163 : memref<80x64xf32, #tpu.memory_space<vmem>>) dst(%dma_wait3A_169 : memref<10000x64xf32, #tpu.memory_space<vmem_shared>>)
    %dma_wait3A_172 = arith.constant 4 : i32
    %dma_wait3A_173 = arith.constant 124 : i32
    %dma_wait3A_174 = arith.constant 4 : i32
    %dma_wait3A_175 = arith.constant 0 : i32
    %dma_wait3A_176 = arith.constant 0 : i32
    %dma_wait3A_177 = tpu.memref_slice %arg8[%dma_wait3A_172, %dma_wait3A_175, %dma_wait3A_176] : memref<12x80x64xf32, #tpu.memory_space<vmem>> -> memref<1x80x64xf32, #tpu.memory_space<vmem>>
    %dma_wait3A_178 = tpu.memref_squeeze %dma_wait3A_177 : memref<1x80x64xf32, #tpu.memory_space<vmem>> -> memref<80x64xf32, #tpu.memory_space<vmem>>
    %dma_wait3A_179 = arith.constant 0 : i32
    %dma_wait3A_180 = tpu.memref_slice %arg7[%dma_wait3A_173, %dma_wait3A_179] : memref<125x80xi32, #tpu.memory_space<vmem>> -> memref<1x80xi32, #tpu.memory_space<vmem>>
    %dma_wait3A_181 = tpu.memref_squeeze %dma_wait3A_180 : memref<1x80xi32, #tpu.memory_space<vmem>> -> memref<80xi32, #tpu.memory_space<vmem>>
    %dma_wait3A_182 = arith.constant 0 : i32
    %dma_wait3A_183 = arith.constant 0 : i32
    %dma_wait3A_184 = tpu.memref_slice %arg9[%dma_wait3A_182, %dma_wait3A_183] : memref<10000x64xf32, #tpu.memory_space<vmem_shared>> -> memref<10000x64xf32, #tpu.memory_space<vmem_shared>>
    %dma_wait3A_185 = tpu.memref_slice %arg11[%dma_wait3A_174] : memref<12x!tpu.dma_semaphore, #tpu.memory_space<semaphore_mem>> -> memref<1x!tpu.dma_semaphore, #tpu.memory_space<semaphore_mem>>
    %dma_wait3A_186 = tpu.memref_squeeze %dma_wait3A_185 : memref<1x!tpu.dma_semaphore, #tpu.memory_space<semaphore_mem>> -> memref<!tpu.dma_semaphore, #tpu.memory_space<semaphore_mem>>
    tpu.wait_indirect_dma semaphore(%dma_wait3A_186 : memref<!tpu.dma_semaphore, #tpu.memory_space<semaphore_mem>>) src(%dma_wait3A_178 : memref<80x64xf32, #tpu.memory_space<vmem>>) dst(%dma_wait3A_184 : memref<10000x64xf32, #tpu.memory_space<vmem_shared>>)
    %barrier3A_187 = arith.constant 0 : index
    tpu.barrier barrier_id(%barrier3A_187)
    "tpu.region"() ({
      %run_scoped3A_188 = tpu.sem_alloc : memref<!tpu.dma_semaphore, #tpu.memory_space<semaphore_mem>>
      %dma_start3A_189 = arith.constant 0 : i32
      %dma_start3A_190 = tpu.memref_slice %arg5[%arg0, %mul3A_2, %dma_start3A_189] : memref<2x10000x64xf32, #tpu.memory_space<hbm>> -> memref<1x640x64xf32, #tpu.memory_space<hbm>>
      %dma_start3A_191 = tpu.memref_squeeze %dma_start3A_190 : memref<1x640x64xf32, #tpu.memory_space<hbm>> -> memref<640x64xf32, #tpu.memory_space<hbm>>
      %dma_start3A_192 = arith.constant 0 : i32
      %dma_start3A_193 = tpu.memref_slice %arg9[%mul3A_2, %dma_start3A_192] : memref<10000x64xf32, #tpu.memory_space<vmem_shared>> -> memref<640x64xf32, #tpu.memory_space<vmem_shared>>
      tpu.enqueue_dma source(%dma_start3A_193 : memref<640x64xf32, #tpu.memory_space<vmem_shared>>) target(%dma_start3A_191 : memref<640x64xf32, #tpu.memory_space<hbm>>) target_semaphore(%run_scoped3A_188 : memref<!tpu.dma_semaphore, #tpu.memory_space<semaphore_mem>>)
      %dma_wait3A_194 = arith.constant 0 : i32
      %dma_wait3A_195 = tpu.memref_slice %arg5[%arg0, %mul3A_2, %dma_wait3A_194] : memref<2x10000x64xf32, #tpu.memory_space<hbm>> -> memref<1x640x64xf32, #tpu.memory_space<hbm>>
      %dma_wait3A_196 = tpu.memref_squeeze %dma_wait3A_195 : memref<1x640x64xf32, #tpu.memory_space<hbm>> -> memref<640x64xf32, #tpu.memory_space<hbm>>
      %dma_wait3A_197 = arith.constant 0 : i32
      %dma_wait3A_198 = tpu.memref_slice %arg9[%mul3A_2, %dma_wait3A_197] : memref<10000x64xf32, #tpu.memory_space<vmem_shared>> -> memref<640x64xf32, #tpu.memory_space<vmem_shared>>
      tpu.wait_dma2 semaphore(%run_scoped3A_188 : memref<!tpu.dma_semaphore, #tpu.memory_space<semaphore_mem>>) src(%dma_wait3A_198 : memref<640x64xf32, #tpu.memory_space<vmem_shared>>) dst(%dma_wait3A_196 : memref<640x64xf32, #tpu.memory_space<hbm>>)
      tpu.yield
    }) : () -> ()
    return
  }
}

module attributes {stable_mosaic.version = 14 : i64} {
  func.func @_tc1b_body(%arg0: memref<10000x64xf32, #tpu.memory_space<vmem>>, %arg1: memref<2x10000x16xf32, #tpu.memory_space<vmem>>, %arg2: memref<10000x1xf32, #tpu.memory_space<vmem>>, %arg3: memref<10000x64xf32, #tpu.memory_space<vmem>>) attributes {dimension_semantics = [], scalar_prefetch = 0 : i64, scratch_operands = 0 : i64, tpu.core_type = #tpu.core_type<tc>} {
    %get3A = arith.constant 0 : index
    %get3A_0 = arith.constant 0 : index
    %get3A_1 = arith.constant 0 : index
    %get3A_2 = vector.load %arg1[%get3A, %get3A_0, %get3A_1] : memref<2x10000x16xf32, #tpu.memory_space<vmem>>, vector<1x10000x1xf32>
    %get3A_3 = vector.shape_cast %get3A_2 : vector<1x10000x1xf32> to vector<10000xf32>
    %get3A_4 = arith.constant 1 : index
    %get3A_5 = arith.constant 0 : index
    %get3A_6 = arith.constant 0 : index
    %get3A_7 = vector.load %arg1[%get3A_4, %get3A_5, %get3A_6] : memref<2x10000x16xf32, #tpu.memory_space<vmem>>, vector<1x10000x1xf32>
    %get3A_8 = vector.shape_cast %get3A_7 : vector<1x10000x1xf32> to vector<10000xf32>
    %add3A = arith.addf %get3A_3, %get3A_8 : vector<10000xf32>
    %add3A_9 = arith.constant 1.000000e+00 : f32
    %add3A_10 = vector.broadcast %add3A_9 : f32 to vector<10000xf32>
    %add3A_11 = arith.addf %add3A, %add3A_10 : vector<10000xf32>
    %rsqrt3A = math.rsqrt %add3A_11 : vector<10000xf32>
    %broadcast_in_dim3A = vector.shape_cast %rsqrt3A : vector<10000xf32> to vector<10000x1xf32>
    %swap3A = arith.constant 0 : index
    %swap3A_12 = arith.constant 0 : index
    %swap3A_13 = vector.load %arg2[%swap3A, %swap3A_12] : memref<10000x1xf32, #tpu.memory_space<vmem>>, vector<10000x1xf32>
    tpu.vector_store %arg2[%swap3A, %swap3A_12], %broadcast_in_dim3A {strides = array<i32>} : memref<10000x1xf32, #tpu.memory_space<vmem>>, vector<10000x1xf32>,
    %get3A_14 = arith.constant 0 : index
    %get3A_15 = arith.constant 0 : index
    %get3A_16 = vector.load %arg0[%get3A_14, %get3A_15] : memref<10000x64xf32, #tpu.memory_space<vmem>>, vector<10000x64xf32>
    %mul3A = vector.broadcast %broadcast_in_dim3A : vector<10000x1xf32> to vector<10000x64xf32>
    %mul3A_17 = arith.mulf %mul3A, %get3A_16 : vector<10000x64xf32>
    %swap3A_18 = arith.constant 0 : index
    %swap3A_19 = arith.constant 0 : index
    %swap3A_20 = vector.load %arg3[%swap3A_18, %swap3A_19] : memref<10000x64xf32, #tpu.memory_space<vmem>>, vector<10000x64xf32>
    tpu.vector_store %arg3[%swap3A_18, %swap3A_19], %mul3A_17 {strides = array<i32>} : memref<10000x64xf32, #tpu.memory_space<vmem>>, vector<10000x64xf32>,
    return
  }
}

module attributes {stable_mosaic.version = 14 : i64} {
  func.func @_tc1a_body(%arg0: memref<10000x128xf32, #tpu.memory_space<vmem>>, %arg1: memref<128x64xf32, #tpu.memory_space<vmem>>, %arg2: memref<10000x64xf32, #tpu.memory_space<vmem>>) attributes {dimension_semantics = [], scalar_prefetch = 0 : i64, scratch_operands = 0 : i64, tpu.core_type = #tpu.core_type<tc>} {
    %get3A = arith.constant 0 : index
    %get3A_0 = arith.constant 0 : index
    %get3A_1 = vector.load %arg0[%get3A, %get3A_0] : memref<10000x128xf32, #tpu.memory_space<vmem>>, vector<10000x128xf32>
    %get3A_2 = arith.constant 0 : index
    %get3A_3 = arith.constant 0 : index
    %get3A_4 = vector.load %arg1[%get3A_2, %get3A_3] : memref<128x64xf32, #tpu.memory_space<vmem>>, vector<128x64xf32>
    %dot_general3A = arith.constant dense<0.000000e+00> : vector<10000x64xf32>
    %dot_general3A_5 = tpu.matmul %get3A_1, %get3A_4, %dot_general3A {dimension_numbers = #tpu.dot_dimension_numbers<[1], [0], [0], [1], [0, 0, 1, 1], [], []>, transpose_lhs_hint = false} : vector<10000x128xf32>, vector<128x64xf32>, vector<10000x64xf32> -> vector<10000x64xf32>
    %swap3A = arith.constant 0 : index
    %swap3A_6 = arith.constant 0 : index
    %swap3A_7 = vector.load %arg2[%swap3A, %swap3A_6] : memref<10000x64xf32, #tpu.memory_space<vmem>>, vector<10000x64xf32>
    tpu.vector_store %arg2[%swap3A, %swap3A_6], %dot_general3A_5 {strides = array<i32>} : memref<10000x64xf32, #tpu.memory_space<vmem>>, vector<10000x64xf32>,
    return
  }
}

module attributes {stable_mosaic.version = 14 : i64} {
  func.func @_tc2_body(%arg0: memref<2x10000x64xf32, #tpu.memory_space<vmem>>, %arg1: memref<10000x64xf32, #tpu.memory_space<vmem>>, %arg2: memref<10000x1xf32, #tpu.memory_space<vmem>>, %arg3: memref<1x64xf32, #tpu.memory_space<vmem>>, %arg4: memref<64x64xf32, #tpu.memory_space<vmem>>, %arg5: memref<10000x64xf32, #tpu.memory_space<vmem>>) attributes {dimension_semantics = [], scalar_prefetch = 0 : i64, scratch_operands = 0 : i64, tpu.core_type = #tpu.core_type<tc>} {
    %get3A = arith.constant 0 : index
    %get3A_0 = arith.constant 0 : index
    %get3A_1 = vector.load %arg2[%get3A, %get3A_0] : memref<10000x1xf32, #tpu.memory_space<vmem>>, vector<10000x1xf32>
    %get3A_2 = arith.constant 0 : index
    %get3A_3 = arith.constant 0 : index
    %get3A_4 = arith.constant 0 : index
    %get3A_5 = vector.load %arg0[%get3A_2, %get3A_3, %get3A_4] : memref<2x10000x64xf32, #tpu.memory_space<vmem>>, vector<1x10000x64xf32>
    %get3A_6 = vector.shape_cast %get3A_5 : vector<1x10000x64xf32> to vector<10000x64xf32>
    %get3A_7 = arith.constant 1 : index
    %get3A_8 = arith.constant 0 : index
    %get3A_9 = arith.constant 0 : index
    %get3A_10 = vector.load %arg0[%get3A_7, %get3A_8, %get3A_9] : memref<2x10000x64xf32, #tpu.memory_space<vmem>>, vector<1x10000x64xf32>
    %get3A_11 = vector.shape_cast %get3A_10 : vector<1x10000x64xf32> to vector<10000x64xf32>
    %add3A = arith.addf %get3A_6, %get3A_11 : vector<10000x64xf32>
    %get3A_12 = arith.constant 0 : index
    %get3A_13 = arith.constant 0 : index
    %get3A_14 = vector.load %arg1[%get3A_12, %get3A_13] : memref<10000x64xf32, #tpu.memory_space<vmem>>, vector<10000x64xf32>
    %add3A_15 = arith.addf %add3A, %get3A_14 : vector<10000x64xf32>
    %mul3A = vector.broadcast %get3A_1 : vector<10000x1xf32> to vector<10000x64xf32>
    %mul3A_16 = arith.mulf %mul3A, %add3A_15 : vector<10000x64xf32>
    %get3A_17 = arith.constant 0 : index
    %get3A_18 = arith.constant 0 : index
    %get3A_19 = vector.load %arg3[%get3A_17, %get3A_18] : memref<1x64xf32, #tpu.memory_space<vmem>>, vector<1x64xf32>
    %add3A_20 = vector.broadcast %get3A_19 : vector<1x64xf32> to vector<10000x64xf32>
    %add3A_21 = arith.addf %mul3A_16, %add3A_20 : vector<10000x64xf32>
    %max3A = arith.constant 0.000000e+00 : f32
    %max3A_22 = vector.broadcast %max3A : f32 to vector<10000x64xf32>
    %max3A_23 = arith.maximumf %add3A_21, %max3A_22 : vector<10000x64xf32>
    %get3A_24 = arith.constant 0 : index
    %get3A_25 = arith.constant 0 : index
    %get3A_26 = vector.load %arg4[%get3A_24, %get3A_25] : memref<64x64xf32, #tpu.memory_space<vmem>>, vector<64x64xf32>
    %dot_general3A = arith.constant dense<0.000000e+00> : vector<10000x64xf32>
    %dot_general3A_27 = tpu.matmul %max3A_23, %get3A_26, %dot_general3A {dimension_numbers = #tpu.dot_dimension_numbers<[1], [0], [0], [1], [0, 0, 1, 1], [], []>, transpose_lhs_hint = false} : vector<10000x64xf32>, vector<64x64xf32>, vector<10000x64xf32> -> vector<10000x64xf32>
    %mul3A_28 = vector.broadcast %get3A_1 : vector<10000x1xf32> to vector<10000x64xf32>
    %mul3A_29 = arith.mulf %mul3A_28, %dot_general3A_27 : vector<10000x64xf32>
    %swap3A = arith.constant 0 : index
    %swap3A_30 = arith.constant 0 : index
    %swap3A_31 = vector.load %arg5[%swap3A, %swap3A_30] : memref<10000x64xf32, #tpu.memory_space<vmem>>, vector<10000x64xf32>
    tpu.vector_store %arg5[%swap3A, %swap3A_30], %mul3A_29 {strides = array<i32>} : memref<10000x64xf32, #tpu.memory_space<vmem>>, vector<10000x64xf32>,
    return
  }
}

module attributes {stable_mosaic.version = 14 : i64} {
  func.func @_tc3_body(%arg0: memref<2x10000x64xf32, #tpu.memory_space<vmem>>, %arg1: memref<10000x64xf32, #tpu.memory_space<vmem>>, %arg2: memref<10000x1xf32, #tpu.memory_space<vmem>>, %arg3: memref<1x64xf32, #tpu.memory_space<vmem>>, %arg4: memref<1x10000xi32, #tpu.memory_space<vmem>>, %arg5: memref<64x64xf32, #tpu.memory_space<vmem>>) attributes {dimension_semantics = [], scalar_prefetch = 0 : i64, scratch_operands = 0 : i64, tpu.core_type = #tpu.core_type<tc>} {
    %get3A = arith.constant 0 : index
    %get3A_0 = arith.constant 0 : index
    %get3A_1 = vector.load %arg2[%get3A, %get3A_0] : memref<10000x1xf32, #tpu.memory_space<vmem>>, vector<10000x1xf32>
    %get3A_2 = arith.constant 0 : index
    %get3A_3 = arith.constant 0 : index
    %get3A_4 = arith.constant 0 : index
    %get3A_5 = vector.load %arg0[%get3A_2, %get3A_3, %get3A_4] : memref<2x10000x64xf32, #tpu.memory_space<vmem>>, vector<1x10000x64xf32>
    %get3A_6 = vector.shape_cast %get3A_5 : vector<1x10000x64xf32> to vector<10000x64xf32>
    %get3A_7 = arith.constant 1 : index
    %get3A_8 = arith.constant 0 : index
    %get3A_9 = arith.constant 0 : index
    %get3A_10 = vector.load %arg0[%get3A_7, %get3A_8, %get3A_9] : memref<2x10000x64xf32, #tpu.memory_space<vmem>>, vector<1x10000x64xf32>
    %get3A_11 = vector.shape_cast %get3A_10 : vector<1x10000x64xf32> to vector<10000x64xf32>
    %add3A = arith.addf %get3A_6, %get3A_11 : vector<10000x64xf32>
    %get3A_12 = arith.constant 0 : index
    %get3A_13 = arith.constant 0 : index
    %get3A_14 = vector.load %arg1[%get3A_12, %get3A_13] : memref<10000x64xf32, #tpu.memory_space<vmem>>, vector<10000x64xf32>
    %add3A_15 = arith.addf %add3A, %get3A_14 : vector<10000x64xf32>
    %mul3A = vector.broadcast %get3A_1 : vector<10000x1xf32> to vector<10000x64xf32>
    %mul3A_16 = arith.mulf %mul3A, %add3A_15 : vector<10000x64xf32>
    %get3A_17 = arith.constant 0 : index
    %get3A_18 = arith.constant 0 : index
    %get3A_19 = vector.load %arg3[%get3A_17, %get3A_18] : memref<1x64xf32, #tpu.memory_space<vmem>>, vector<1x64xf32>
    %add3A_20 = vector.broadcast %get3A_19 : vector<1x64xf32> to vector<10000x64xf32>
    %add3A_21 = arith.addf %mul3A_16, %add3A_20 : vector<10000x64xf32>
    %max3A = arith.constant 0.000000e+00 : f32
    %max3A_22 = vector.broadcast %max3A : f32 to vector<10000x64xf32>
    %max3A_23 = arith.maximumf %add3A_21, %max3A_22 : vector<10000x64xf32>
    %iota3A = tpu.iota {dimensions = array<i32: 0>} : vector<64x10000xi32>
    %get3A_24 = arith.constant 0 : index
    %get3A_25 = arith.constant 0 : index
    %get3A_26 = vector.load %arg4[%get3A_24, %get3A_25] : memref<1x10000xi32, #tpu.memory_space<vmem>>, vector<1x10000xi32>
    %eq3A = vector.broadcast %get3A_26 : vector<1x10000xi32> to vector<64x10000xi32>
    %eq3A_27 = arith.cmpi eq, %iota3A, %eq3A : vector<64x10000xi32>
    %convert_element_type3A = arith.extui %eq3A_27 : vector<64x10000xi1> to vector<64x10000xi32>
    %convert_element_type3A_28 = arith.sitofp %convert_element_type3A : vector<64x10000xi32> to vector<64x10000xf32>
    %dot_general3A = arith.constant dense<0.000000e+00> : vector<64x64xf32>
    %dot_general3A_29 = tpu.matmul %convert_element_type3A_28, %max3A_23, %dot_general3A {dimension_numbers = #tpu.dot_dimension_numbers<[1], [0], [0], [1], [0, 0, 1, 1], [], []>, transpose_lhs_hint = false} : vector<64x10000xf32>, vector<10000x64xf32>, vector<64x64xf32> -> vector<64x64xf32>
    %reduce_sum3A = arith.constant dense<0.000000e+00> : vector<64xf32>
    %reduce_sum3A_30 = vector.multi_reduction <add>, %convert_element_type3A_28, %reduce_sum3A [1] : vector<64x10000xf32> to vector<64xf32>
    %broadcast_in_dim3A = vector.shape_cast %reduce_sum3A_30 : vector<64xf32> to vector<64x1xf32>
    %max3A_31 = arith.constant 1.000000e+00 : f32
    %max3A_32 = vector.broadcast %max3A_31 : f32 to vector<64x1xf32>
    %max3A_33 = arith.maximumf %broadcast_in_dim3A, %max3A_32 : vector<64x1xf32>
    %div3A = vector.broadcast %max3A_33 : vector<64x1xf32> to vector<64x64xf32>
    %div3A_34 = arith.divf %dot_general3A_29, %div3A : vector<64x64xf32>
    %swap3A = arith.constant 0 : index
    %swap3A_35 = arith.constant 0 : index
    %swap3A_36 = vector.load %arg5[%swap3A, %swap3A_35] : memref<64x64xf32, #tpu.memory_space<vmem>>, vector<64x64xf32>
    tpu.vector_store %arg5[%swap3A, %swap3A_35], %div3A_34 {strides = array<i32>} : memref<64x64xf32, #tpu.memory_space<vmem>>, vector<64x64xf32>,
    return
  }
}

</mosaic_0001>

<sc_bundles>
// kernel: kernel.12.cloned.1.call-start
scs
__scs_entry_jumppad:
0x0: {  	(pc) =	sbr.rel $0x88, $3  }
0x1: {  	(tag) =	ssettag $0x0;
	lr =	simm.s32 $0x1  }
0x2: {  	[smem:$0x3F9A] =	sst lr;
	_ =	strace $0xD0000000  }
0x3: {  	_ = 	snop  }
0x4: {  	_ = 	snop  }
0x5: {  	_ = 	snop  }
0x6: {  	_ = 	snop  }
0x7: {  	_ = 	snop  }
__scs_overlays_trampoline_lowered:
0x8: {  	[smem:$0x3FA9] =	sst s0  }
0x9: {  	[smem:$0x3FAA] =	sst s1  }
0xa: {  	[smem:$0x3FAB] =	sst s2  }
0xb: {  	[smem:$0x3FAC] =	sst s3  }
0xc: {  	[smem:$0x3FAD] =	sst s4  }
0xd: {  	[smem:$0x3FAE] =	sst s5  }
0xe: {  	[smem:$0x3FAF] =	sst s6  }
0xf: {  	[smem:$0x3FB0] =	sst s7  }
0x10: {  	[smem:$0x3FB1] =	sst s8  }
0x11: {  	[smem:$0x3FB2] =	sst s9;
	s0 =	simm.s32 @!p0 $0x0  }
0x12: {  	s1 =	sld [smem:$0x3F98];
	s0 =	simm.s32 @p0 $0x1  }
0x13: {  	[smem:$0x3FB3] =	sst s0;
	s0 =	simm.s32 @!p1 $0x0  }
0x14: {  	s2 =	sld [smem:$0x3F97];
	s0 =	simm.s32 @p1 $0x1  }
0x15: {  	[smem:$0x3FB4] =	sst s0;
	s0 =	simm.s32 @!p2 $0x0  }
0x16: {  	s3 =	sld [smem:$0x3FDB];
	s0 =	simm.s32 @p2 $0x1  }
0x17: {  	s4 =	simm.s32 $0x1BF5;
	[smem:$0x3FB6] =	sst s0  }
0x18: {  	s0 =	sld [smem:$0x3F99];
	_ =	swait.ge [sflag:s4], $0x0  }
0x19: {  	s7 =	sld [smem:$0x3F9A]  }
0x1a: {  	s8 =	sadd.s32 $0xFFFFE003, lr  }
0x1b: {  	s9 =	sadd.s32 $0xFFFFFEF7, lr;
	s5 =	simm.s32 $0xFFFFFFFF;
	p2 =	slt.u32 s8, $0xFFFFF086  }
0x1c: {  	p1 =	slt.u32 s9, $0xF7A;
	s5 =	simm.s32 @!p2 $0x0  }
0x1d: {  	s5 =	simm.s32 @p1 $0x1;
	p0 =	seq.s32 s7, s2  }
0x1e: {  	s7 =	smul.u32 @!p0 $0xF7A, s2;
	p2 =	seq.s32 @!p0 s5, $0x0  }
0x1f: {  	s9 =	smul.u32 $0xF7A, s1;
	s8 =	simm.s32 @!p0 $0x1BF5;
	p2 =	por !p2, p0  }
0x20: {  	[sflag:s8] =	ssyncset.s32 @!p0 $0xFFFFF086;
	s6 =	sadd.s32 @!p0 s3, s7;
	s7 =	simm.s32 @!p0 $0x108  }
0x21: {  	s3 =	sadd.s32 s3, s9;
	s6 =	sadd.s32 @!p0 $0x88, s6;
	s7 =	simm.s32 @p2 $0x1082  }
0x22: {  	[simem:s7], [sflag:s8] =	dma.local @!p0 [hbm:s6], $0xF7A  }
0x23: {  	s9 =	sor.u32 $0xD0000000, s2;
	s6 =	simm.s32 $0x108;
	_ =	swait.ge @!p0 [sflag:s8], $0x0  }
0x24: {  	s3 =	sadd.s32 $0x88, s3;
	s6 =	simm.s32 @!p1 $0x1082;
	[sflag:s4] =	ssyncset.s32 $0xFFFFF086  }
0x25: {  	[simem:s6], [sflag:s4] =	dma.local [hbm:s3], $0xF7A  }
0x26: {  	[smem:$0x3F9A] =	sst s1;
	(tag) =	ssettag s2;
	_ =	strace s9  }
0x27: {  	s1 =	sld [smem:$0x3FAA]  }
0x28: {  	s2 =	sld [smem:$0x3FAB]  }
0x29: {  	s4 =	sld [smem:$0x3FAD]  }
0x2a: {  	p0 =	seq.s32 s5, $0x0;
	s5 =	sld [smem:$0x3FAE]  }
0x2b: {  	s6 =	sld [smem:$0x3FAF]  }
0x2c: {  	s7 =	sld [smem:$0x3FB0]  }
0x2d: {  	s3 =	simm.s32 $0x108;
	s8 =	sld [smem:$0x3FB1]  }
0x2e: {  	s3 =	simm.s32 @!p0 $0x1082;
	s9 =	sld [smem:$0x3FB2]  }
0x2f: {  	lr =	sadd.s32 s0, s3;
	s0 =	sld [smem:$0x3FA9]  }
0x30: {  	s3 =	sld [smem:$0x3FAC]  }
0x31: {  	[smem:$0x3FB5] =	sst s10  }
0x32: {  	s10 =	sld [smem:$0x3FB3];
	_ =	sdelay $0x3  }
0x33: {  	p0 =	seq.s32 s10, $0x1;
	s10 =	sld [smem:$0x3FB5];
	_ =	sdelay $0x3  }
0x34: {  	[smem:$0x3FB5] =	sst s10  }
0x35: {  	s10 =	sld [smem:$0x3FB4];
	_ =	sdelay $0x3  }
0x36: {  	p1 =	seq.s32 s10, $0x1;
	s10 =	sld [smem:$0x3FB5];
	_ =	sdelay $0x3  }
0x37: {  	[smem:$0x3FB5] =	sst s10  }
0x38: {  	s10 =	sld [smem:$0x3FB6]  }
0x39: {  	_ = 	snop;
	(pc) =	sbr.ind lr, $3  }
0x3a: {  	_ = 	snop  }
0x3b: {  	_ = 	snop  }
0x3c: {  	p2 =	seq.s32 s10, $0x1;
	s10 =	sld [smem:$0x3FB5]  }
0x3d: {  	_ =	shalt  }
0x3e: {  	_ =	shalt  }
0x3f: {  	_ =	shalt  }
0x40: {  	_ =	shalt  }
0x41: {  	_ =	shalt  }
0x42: {  	_ =	shalt  }
0x43: {  	_ =	shalt  }
0x44: {  	_ =	shalt  }
0x45: {  	_ =	shalt  }
0x46: {  	_ =	shalt  }
0x47: {  	_ =	shalt  }
0x48: {  	_ =	shalt  }
0x49: {  	_ =	shalt  }
0x4a: {  	_ =	shalt  }
0x4b: {  	_ =	shalt  }
0x4c: {  	_ =	shalt  }
0x4d: {  	_ =	shalt  }
0x4e: {  	_ =	shalt  }
0x4f: {  	_ =	shalt  }
0x50: {  	_ =	shalt  }
0x51: {  	_ =	shalt  }
0x52: {  	_ =	shalt  }
0x53: {  	_ =	shalt  }
0x54: {  	_ =	shalt  }
0x55: {  	_ =	shalt  }
0x56: {  	_ =	shalt  }
0x57: {  	_ =	shalt  }
0x58: {  	_ =	shalt  }
0x59: {  	_ =	shalt  }
0x5a: {  	_ =	shalt  }
0x5b: {  	_ =	shalt  }
0x5c: {  	_ =	shalt  }
0x5d: {  	_ =	shalt  }
0x5e: {  	_ =	shalt  }
0x5f: {  	_ =	shalt  }
0x60: {  	_ =	shalt  }
0x61: {  	_ =	shalt  }
0x62: {  	_ =	shalt  }
0x63: {  	_ =	shalt  }
0x64: {  	_ =	shalt  }
0x65: {  	_ =	shalt  }
0x66: {  	_ =	shalt  }
0x67: {  	_ =	shalt  }
0x68: {  	_ =	shalt  }
0x69: {  	_ =	shalt  }
0x6a: {  	_ =	shalt  }
0x6b: {  	_ =	shalt  }
0x6c: {  	_ =	shalt  }
0x6d: {  	_ =	shalt  }
0x6e: {  	_ =	shalt  }
0x6f: {  	_ =	shalt  }
0x70: {  	_ =	shalt  }
0x71: {  	_ =	shalt  }
0x72: {  	_ =	shalt  }
0x73: {  	_ =	shalt  }
0x74: {  	_ =	shalt  }
0x75: {  	_ =	shalt  }
0x76: {  	_ =	shalt  }
0x77: {  	_ =	shalt  }
0x78: {  	_ =	shalt  }
0x79: {  	_ =	shalt  }
0x7a: {  	_ =	shalt  }
0x7b: {  	_ =	shalt  }
0x7c: {  	_ =	shalt  }
0x7d: {  	_ =	shalt  }
0x7e: {  	_ =	shalt  }
0x7f: {  	_ =	shalt  }
0x80: {  	_ =	shalt  }
0x81: {  	_ =	shalt  }
0x82: {  	_ =	shalt  }
0x83: {  	_ =	shalt  }
0x84: {  	_ =	shalt  }
0x85: {  	_ =	shalt  }
0x86: {  	_ =	shalt  }
0x87: {  	_ =	shalt  }
.Lfunc_end0:
.L_simem_size_0:
called_computation.1_lowered:
.L_overlay_start_0:
0x88: {  	s2 =	sld [smem:$0x3FD9]  }
0x89: {  	s3 =	sld [smem:$0x3FFE];
	_ =	sdelay $0x1  }
0x8a: {  	s1 =	srdreg.scid  }
0x8b: {  	s0 =	sand.u32 $0x1, s1  }
0x8c: {  	s16 =	sshll.u32 s0, $0xA;
	s2 =	sadd.s32 s3, s2  }
0x8d: {  	s2 =	sadd.s32 s2, s16  }
0x8e: {  	[smem:$0x3FC1] =	sst s2  }
0x8f: {  	_ = 	snop  }
0x90: {  	(tm) =	ssettm $0x1  }
0x91: {  	s17 =	sld [smem:$0x3FFB];
	_ =	sdelay $0x3  }
0x92: {  	_ =	strace s17  }
0x93: {  	s2 =	sld [smem:$0x3FFC];
	_ =	sdelay $0x3  }
0x94: {  	_ =	strace s2  }
0x95: {  	s2 =	sld [smem:$0x3FFD];
	_ =	sdelay $0x3  }
0x96: {  	_ =	strace s2  }
0x97: {  	_ =	strace $0x8FFFFFFF  }
0x98: {  	s18 =	sld [smem:$0x3FDB];
	_ =	sdelay $0x1  }
0x99: {  	s19 =	simm.s32 $_scs_section_size  }
0x9a: {  	s4 =	simm.s32 $_size__tile_overlayer_lowered;
	s5 =	simm.s32 $_tile_overlayer_lowered  }
0x9b: {  	s22 =	simm.s32 $0x1BFF;
	s21 =	sshll.u32 s5, $0x1;
	s2 =	sadd.s32 s19, s18  }
0x9c: {  	s6 =	simm.s32 $0x0;
	s20 =	sshll.u32 s4, $0x1;
	s4 =	sadd.s32 s21, s2  }
0x9d: {  	[timem:s6], [sflag:s22] =	dma.local [hbm:s4], s20  }
0x9e: {  	_ =	swait.ge [sflag:s22], s20  }
0x9f: {  	s3 =	ssub.s32 $0x0, s20;
	[sflag:s22] =	ssyncset.done $0x0  }
0xa0: {  	[sflag:s22] =	ssyncadd.s32 s3;
	_ =	sdelay $0x1  }
0xa1: {  	s23 =	simm.s32 $0x1B8B  }
0xa2: {  	_ =	swait.ge [sflag:s23], $0x1  }
0xa3: {  	[sflag:s23] =	ssyncset.done $0x0  }
0xa4: {  	s25 =	simm.s32 $0x1B8E;
	s24 =	sld [smem:$0x3FFE];
	[sflag:s23] =	ssyncadd.s32 $0xFFFFFFFF  }
0xa5: {  	s26 =	simm.s32 $execute0_lowered;
	[smem:$0x3FD2] =	sst s25  }
0xa6: {  	s4 =	sshll.u32 s26, $0x1;
	_ =	strace $0x80000049;
	[dreg:$0x1] =	wrdreg $0xFFFFFFFF  }
0xa7: {  	s28 =	simm.s32 $_size_execute0_lowered;
	s2 =	sadd.s32 s2, s4;
	[dreg:$0x0] =	wrdreg $0x0  }
0xa8: {  	s4 =	sshll.u32 s28, $0x1;
	[dreg:$0x2] =	wrdreg s2  }
0xa9: {  	[dreg:$0x3] =	wrdreg s4  }
0xaa: {  	[dreg:$0x4] =	wrdreg $0xC0  }
0xab: {  	_ =	task [dreg:s6], $0x5FFFF  }
0xac: {  	[dreg:$0x1] =	wrdreg $0xFFFFFFFF  }
0xad: {  	[dreg:$0x0] =	wrdreg $0x60  }
0xae: {  	[dreg:$0x2] =	wrdreg s24  }
0xaf: {  	[dreg:$0x3] =	wrdreg $0x13E200  }
0xb0: {  	[dreg:$0x4] =	wrdreg $0x9  }
0xb1: {  	_ =	task.clear_ibuf [dreg:s6], $0x5FFFF;
	_ =	strace $0x90000049  }
0xb2: {  	s29 =	simm.s32 $0x9;
	_ =	strace $0x8000004B  }
0xb3: {  	_ =	swait.ge [sflag:s29], $0x1  }
0xb4: {  	[sflag:s29] =	ssyncadd.s32 $0xFFFFFFFF  }
0xb5: {  	_ =	strace $0x9000004B  }
0xb6: {  	_ =	sfence  }
0xb7: {  	s30 =	sld [smem:$0x0];
	_ =	sdelay $0x2  }
0xb8: {  	s31 =	sshll.u32 s1, $0xD;
	s1 =	sshrl.u32 s1, $0x2  }
0xb9: {  	s3 =	sand.u32 $0x4000, s31;
	s1 =	sadd.s32 s1, s30  }
0xba: {  	s0 =	sor.u32 s3, s0;
	s1 =	sshll.u32 s1, $0x11  }
0xbb: {  	s0 =	sor.u32 s1, s0  }
0xbc: {  	s0 =	sadd.s32 $0x8F2B, s0  }
0xbd: {  	[sflag:s0] =	ssyncadd.remote.s32 $0x1  }
0xbe: {  	_ =	sfence.sel $0xFFFF  }
0xbf: {  	[dreg:$0x0] =	wrdreg $0xFFFFFFFF;
	(pc) =	sbr.abs _section_cstart, $3  }
0xc0: {  	[dreg:$0x1] =	wrdreg $0xFFFFFFFF  }
0xc1: {  	_ =	task.clear_ibuf [dreg:s6], $0x2FFFF;
	_ =	strace $0x9FFFFFFF  }
0xc2: {  	(tm) =	ssettm $0x7FFFFFFF  }
0xc3: {  	_ =	shalt  }
tec
execute0_lowered:
.L_overlay_start_1:
0x0: {  	(tag) =	ssettag $0x1  }
0x1: {  	s0 =	srdreg.scid;
	s5 =	rddreg [dreg:$0x0]  }
0x2: {  	s11 =	stileid.u32;
	s2 =	rddreg [dreg:$0x1];
	s3 =	simm.s32 $0x0  }
0x3: {  	s13 =	simm.s32 $0x50;
	s19 =	simm.s32 $0x8A20;
	s20 =	simm.s32 $0x140  }
0x4: {  	s21 =	simm.s32 $0x9E20;
	s22 =	simm.s32 $0x190;
	s23 =	simm.s32 $0xB220  }
0x5: {  	s24 =	simm.s32 $0x18;
	s28 =	simm.s32 $0xF;
	s29 =	simm.s32 $0x10  }
0x6: {  	s30 =	simm.s32 $0x11;
	s31 =	simm.s32 $0x0;
	s0 =	sand.u32 $0x1, s0  }
0x7: {  	s1 =	sshll.u32 s11, $0x1;
	s7 =	smul.u32 $0x9C00, s11;
	[smem:$0x7FF] =	sst s3  }
0x8: {  	s4 =	sadd.s32 $0x15A00, s5;
	s26 =	sshll.u32 s11, $0x6;
	s1 =	sor.u32 s0, s1  }
0x9: {  	s6 =	smul.u32 $0x9C400, s0;
	_ =	strace $0x8000004A;
	s0 =	ssub.s32 $0x2, s0  }
0xa: {  	s11 =	sor.u32 $0x1C19, s26;
	s26 =	simm.s32 $0xE;
	s1 =	smul.u32 $0x2710, s1  }
0xb: {  	s8 =	sshrl.u32 s7, $0x3;
	s9 =	sshrl.u32 s0, $0x1;
	s25 =	sadd.s32 s7, s2  }
0xc: {  	s6 =	sadd.s32 s7, s6;
	s8 =	sadd.s32 s8, s5;
	s0 =	ssub.s32 s0, s9  }
0xd: {  	s12 =	sshrl.u32 s25, $0x3;
	s25 =	simm.s32 $0xD;
	s1 =	sshrl.u32 s1, $0x3  }
0xe: {  	s6 =	sshrl.u32 s6, $0x3;
	s7 =	sadd.s32 $0x29400, s8;
	s1 =	sadd.s32 s1, s5  }
0xf: {  	s9 =	smax.u32 s0, $0x1;
	s10 =	sadd.s32 s6, s5;
	s5 =	sadd.s32 $0x2000, s1  }
0x10: {  	s6 =	sadd.s32 $0xBC40, s1;
	s8 =	sadd.s32 $0x3CE00, s10;
	s10 =	simm.s32 $0x19  }
.LBB2_1:
0x11: {  	[tilespmem:s3], [sflag:$0x19] =	stream.linear.gather [hbm4b:s5+s3], $0x2710, $0x38;
	[tilespmem:$0x1DA60] =	vst v63  }
0x12: {  	_ =	swait.ge [sflag:s10], $0x2710  }
0x13: {  	[sflag:s10] =	ssyncset.done $0x0  }
0x14: {  	s1 =	simm.s32 $0x2710;
	[sflag:s10] =	ssyncadd.s32 $0xFFFFD8F0  }
0x15: {  	[tilespmem:s1], [sflag:$0x19] =	stream.linear.gather [hbm4b:s6+s3], $0x2710, $0x38;
	[tilespmem:$0x1DA60] =	vst v63  }
0x16: {  	_ =	swait.ge [sflag:s10], $0x2710  }
0x17: {  	[sflag:s10] =	ssyncset.done $0x0  }
0x18: {  	[sflag:s10] =	ssyncadd.s32 $0xFFFFD8F0  }
0x19: {  	[spmem:s12], [sflag:s11] =	dma.local [hbm:s7], $0x1400  }
0x1a: {  	_ =	swait.ge [sflag:s10], $0x1400  }
0x1b: {  	[sflag:s10] =	ssyncset.done $0x0  }
0x1c: {  	[sflag:s10] =	ssyncadd.s32 $0xFFFFEC00  }
0x1d: {  	s0 =	simm.s32 $0x4E20;
	[bflag:$0x0] =	sbarrier.arrive $0xFFFF  }
0x1e: {  	[tilespmem:s0], [sflag:$0x1] =	stream.indirect.gather [hbm4b:s4+s13], $0x40, s3, s13, $0xb8;
	[tilespmem:$0x1DA60] =	vst v63  }
0x1f: {  	s16 =	simm.s32 $0x6220  }
0x20: {  	[tilespmem:s16], [sflag:$0x2] =	stream.indirect.gather [hbm4b:s4+s13], $0x40, s13, s13, $0xb8;
	[tilespmem:$0x1DA60] =	vst v63  }
0x21: {  	s17 =	simm.s32 $0xA0;
	s14 =	simm.s32 $0x7620  }
0x22: {  	[tilespmem:s14], [sflag:$0x3] =	stream.indirect.gather [hbm4b:s4+s13], $0x40, s17, s13, $0xb8;
	[tilespmem:$0x1DA60] =	vst v63  }
0x23: {  	s18 =	simm.s32 $0xF0  }
0x24: {  	[tilespmem:s19], [sflag:$0x4] =	stream.indirect.gather [hbm4b:s4+s13], $0x40, s18, s13, $0xb8;
	[tilespmem:$0x1DA60] =	vst v63  }
0x25: {  	_ = 	snop  }
0x26: {  	[tilespmem:s21], [sflag:$0x5] =	stream.indirect.gather [hbm4b:s4+s13], $0x40, s20, s13, $0xb8;
	[tilespmem:$0x1DA60] =	vst v63  }
0x27: {  	s0 =	simm.s32 $0x1E0;
	s14 =	simm.s32 $0x0  }
0x28: {  	[tilespmem:s23], [sflag:$0x6] =	stream.indirect.gather [hbm4b:s4+s13], $0x40, s22, s13, $0xb8;
	[tilespmem:$0x1DA60] =	vst v63  }
.LBB2_2:
0x29: {  	s15 =	smul.u32 $0xAB, s14;
	_ =	sdelay $0x1  }
0x2a: {  	s16 =	sshrl.u32 s15, $0xB  }
0x2b: {  	s15 =	sadd.s32 $0x402, s15;
	s16 =	sand.u32 $0x1F, s16  }
0x2c: {  	s15 =	sshrl.u32 s15, $0xB;
	s16 =	smul.u32 $0xC, s16  }
0x2d: {  	s15 =	sand.u32 $0x1F, s15  }
0x2e: {  	s15 =	smul.u32 $0xC, s15;
	s16 =	ssub.s32 s14, s16  }
0x2f: {  	s16 =	sand.u32 $0xFF, s16  }
0x30: {  	s15 =	ssub.s32 s14, s15;
	s17 =	smul.u32 $0x5000, s16;
	s18 =	sadd.s32 $0x1, s16  }
0x31: {  	p0 =	slt.u32 s14, $0x6;
	s15 =	sadd.s32 $0x6, s15;
	_ =	swait.ge [sflag:s18], $0x1400  }
0x32: {  	s16 =	sadd.s32 $0xD, s16;
	s17 =	sshrl.u32 s17, $0x2;
	[sflag:s18] =	ssyncset.done $0x0  }
0x33: {  	s15 =	sand.u32 $0xFF, s15;
	s17 =	sadd.s32 $0x4E20, s17;
	[sflag:s18] =	ssyncadd.s32 $0xFFFFEC00  }
0x34: {  	[spmem:s2] =	stream.indirect.scatter.add.f32 [tilespmem:s17], [sflag:s16], $0x40, s1, s13, $0xb8;
	[tilespmem:$0x1DA60] =	vst v63  }
0x35: {  	s16 =	sadd.s32 @!p0 $0xD, s15  }
0x36: {  	p1 =	sgt.u32 @!p0 s14, $0x76;
	_ =	swait.ge @!p0 [sflag:s16], $0x1400  }
0x37: {  	p1 =	por p0, !p1;
	s14 =	sadd.s32 $0x1, s14;
	[sflag:s16] =	ssyncset.done @!p0 $0x0  }
0x38: {  	[sflag:s16] =	ssyncadd.s32 @!p0 $0xFFFFEC00;
	s16 =	smul.u32 @p1 $0x5000, s15;
	p0 =	sne.s32 s14, $0x7D  }
.Ltmp0:
0x39: {  	_ = 	snop;
	(pc) =	sbr.rel @p0 .LBB2_2-.Ltmp0, $4  }
0x3a: {  	s16 =	sshrl.u32 @p1 s16, $0x2  }
0x3b: {  	s15 =	sadd.s32 @p1 $0x1, s15;
	s16 =	sadd.s32 @p1 $0x4E20, s16  }
0x3c: {  	[tilespmem:s16], [sflag:s15] =	stream.indirect.gather @p1 [hbm4b:s4+s13], $0x40, s0, s13, $0xb8;
	[tilespmem:$0x1DA60] =	vst v63  }
0x3d: {  	s1 =	sadd.s32 $0x50, s1;
	s0 =	sadd.s32 $0x50, s0  }
0x3e: {  	_ =	swait.ge [sflag:s24], $0x1400  }
0x3f: {  	[sflag:s24] =	ssyncset.done $0x0  }
0x40: {  	[sflag:s24] =	ssyncadd.s32 $0xFFFFEC00  }
0x41: {  	_ =	swait.ge [sflag:s25], $0x1400  }
0x42: {  	[sflag:s25] =	ssyncset.done $0x0  }
0x43: {  	[sflag:s25] =	ssyncadd.s32 $0xFFFFEC00  }
0x44: {  	_ =	swait.ge [sflag:s26], $0x1400  }
0x45: {  	[sflag:s26] =	ssyncset.done $0x0  }
0x46: {  	[sflag:s26] =	ssyncadd.s32 $0xFFFFEC00  }
0x47: {  	_ =	swait.ge [sflag:s28], $0x1400  }
0x48: {  	[sflag:s28] =	ssyncset.done $0x0  }
0x49: {  	[sflag:s28] =	ssyncadd.s32 $0xFFFFEC00  }
0x4a: {  	_ =	swait.ge [sflag:s29], $0x1400  }
0x4b: {  	[sflag:s29] =	ssyncset.done $0x0  }
0x4c: {  	[sflag:s29] =	ssyncadd.s32 $0xFFFFEC00  }
0x4d: {  	_ =	swait.ge [sflag:s30], $0x1400  }
0x4e: {  	s31 =	sadd.s32 $0x1, s31;
	[sflag:s30] =	ssyncset.done $0x0  }
0x4f: {  	p0 =	sne.s32 s31, s9;
	[sflag:s30] =	ssyncadd.s32 $0xFFFFEC00  }
.Ltmp1:
0x50: {  	[bflag:$0x0] =	sbarrier.arrive $0xFFFF;
	(pc) =	sbr.rel @p0 .LBB2_1-.Ltmp1, $4  }
0x51: {  	[hbm:s8], [sflag:s11] =	dma.local [spmem:s12], $0x1400  }
0x52: {  	_ =	swait.ge [sflag:s10], $0x1400  }
0x53: {  	[sflag:s10] =	ssyncset.done $0x0  }
0x54: {  	[sflag:s10] =	ssyncadd.s32 $0xFFFFEC00  }
0x55: {  	_ =	sfence.sel $0x180000  }
0x56: {  	[bflag:$0x0] =	sbarrier.arrive $0xFFFF  }
0x57: {  	_ =	strace $0x9000004A  }
0x58: {  	s0 =	stileid.u32;
	[bflag:$0x2] =	sbarrier.arrive $0xFFFF  }
0x59: {  	p0 =	sne.s32 s0, $0x0;
	s0 =	rddreg [dreg:$0x2]  }
0x5a: {  	s0 =	sadd.s32 @!p0 $0x100000, s0  }
0x5b: {  	[sflag:s0] =	ssyncadd.tile.s32 @!p0 $0x1;
	_ =	shalt  }
.Lfunc_end2:
_tile_overlayer_lowered:
.L_overlay_start_2:
0x5c: {  	(tag) =	ssettag $0x2  }
0x5d: {  	s0 =	rddreg [dreg:$0x0];
	s2 =	stileid.u32  }
0x5e: {  	s1 =	rddreg [dreg:$0x1];
	p0 =	sne.s32 s2, $0x0  }
0x5f: {  	s3 =	rddreg [dreg:$0x2];
	[bflag:$0x3] =	sbarrier.arrive $0xFFFF;
	s2 =	simm.s32 @!p0 $0x1C19  }
0x60: {  	[timem:s3], [sflag:s2] =	dma.local @!p0 [hbm:s0], s1  }
0x61: {  	s0 =	simm.s32 @!p0 $0x19  }
0x62: {  	_ =	swait.ge @!p0 [sflag:s0], s1  }
0x63: {  	s1 =	ssub.s32 @!p0 $0x0, s1;
	[sflag:s0] =	ssyncset.done @!p0 $0x0  }
0x64: {  	[sflag:s0] =	ssyncadd.s32 @!p0 s1  }
0x65: {  	[bflag:$0x3] =	sbarrier.arrive $0xFFFF  }
0x66: {  	_ =	shalt  }

// kernel: kernel.15.cloned.1.call-start
scs
__scs_entry_jumppad:
0x0: {  	(pc) =	sbr.rel $0x88, $3  }
0x1: {  	(tag) =	ssettag $0x0;
	lr =	simm.s32 $0x1  }
0x2: {  	[smem:$0x3F9A] =	sst lr;
	_ =	strace $0xD0000000  }
0x3: {  	_ = 	snop  }
0x4: {  	_ = 	snop  }
0x5: {  	_ = 	snop  }
0x6: {  	_ = 	snop  }
0x7: {  	_ = 	snop  }
__scs_overlays_trampoline_lowered:
0x8: {  	[smem:$0x3FA9] =	sst s0  }
0x9: {  	[smem:$0x3FAA] =	sst s1  }
0xa: {  	[smem:$0x3FAB] =	sst s2  }
0xb: {  	[smem:$0x3FAC] =	sst s3  }
0xc: {  	[smem:$0x3FAD] =	sst s4  }
0xd: {  	[smem:$0x3FAE] =	sst s5  }
0xe: {  	[smem:$0x3FAF] =	sst s6  }
0xf: {  	[smem:$0x3FB0] =	sst s7  }
0x10: {  	[smem:$0x3FB1] =	sst s8  }
0x11: {  	[smem:$0x3FB2] =	sst s9;
	s0 =	simm.s32 @!p0 $0x0  }
0x12: {  	s1 =	sld [smem:$0x3F98];
	s0 =	simm.s32 @p0 $0x1  }
0x13: {  	[smem:$0x3FB3] =	sst s0;
	s0 =	simm.s32 @!p1 $0x0  }
0x14: {  	s2 =	sld [smem:$0x3F97];
	s0 =	simm.s32 @p1 $0x1  }
0x15: {  	[smem:$0x3FB4] =	sst s0;
	s0 =	simm.s32 @!p2 $0x0  }
0x16: {  	s3 =	sld [smem:$0x3FDB];
	s0 =	simm.s32 @p2 $0x1  }
0x17: {  	s4 =	simm.s32 $0x1BF5;
	[smem:$0x3FB6] =	sst s0  }
0x18: {  	s0 =	sld [smem:$0x3F99];
	_ =	swait.ge [sflag:s4], $0x0  }
0x19: {  	s7 =	sld [smem:$0x3F9A]  }
0x1a: {  	s8 =	sadd.s32 $0xFFFFE003, lr  }
0x1b: {  	s9 =	sadd.s32 $0xFFFFFEF7, lr;
	s5 =	simm.s32 $0xFFFFFFFF;
	p2 =	slt.u32 s8, $0xFFFFF086  }
0x1c: {  	p1 =	slt.u32 s9, $0xF7A;
	s5 =	simm.s32 @!p2 $0x0  }
0x1d: {  	s5 =	simm.s32 @p1 $0x1;
	p0 =	seq.s32 s7, s2  }
0x1e: {  	s7 =	smul.u32 @!p0 $0xF7A, s2;
	p2 =	seq.s32 @!p0 s5, $0x0  }
0x1f: {  	s9 =	smul.u32 $0xF7A, s1;
	s8 =	simm.s32 @!p0 $0x1BF5;
	p2 =	por !p2, p0  }
0x20: {  	[sflag:s8] =	ssyncset.s32 @!p0 $0xFFFFF086;
	s6 =	sadd.s32 @!p0 s3, s7;
	s7 =	simm.s32 @!p0 $0x108  }
0x21: {  	s3 =	sadd.s32 s3, s9;
	s6 =	sadd.s32 @!p0 $0x88, s6;
	s7 =	simm.s32 @p2 $0x1082  }
0x22: {  	[simem:s7], [sflag:s8] =	dma.local @!p0 [hbm:s6], $0xF7A  }
0x23: {  	s9 =	sor.u32 $0xD0000000, s2;
	s6 =	simm.s32 $0x108;
	_ =	swait.ge @!p0 [sflag:s8], $0x0  }
0x24: {  	s3 =	sadd.s32 $0x88, s3;
	s6 =	simm.s32 @!p1 $0x1082;
	[sflag:s4] =	ssyncset.s32 $0xFFFFF086  }
0x25: {  	[simem:s6], [sflag:s4] =	dma.local [hbm:s3], $0xF7A  }
0x26: {  	[smem:$0x3F9A] =	sst s1;
	(tag) =	ssettag s2;
	_ =	strace s9  }
0x27: {  	s1 =	sld [smem:$0x3FAA]  }
0x28: {  	s2 =	sld [smem:$0x3FAB]  }
0x29: {  	s4 =	sld [smem:$0x3FAD]  }
0x2a: {  	p0 =	seq.s32 s5, $0x0;
	s5 =	sld [smem:$0x3FAE]  }
0x2b: {  	s6 =	sld [smem:$0x3FAF]  }
0x2c: {  	s7 =	sld [smem:$0x3FB0]  }
0x2d: {  	s3 =	simm.s32 $0x108;
	s8 =	sld [smem:$0x3FB1]  }
0x2e: {  	s3 =	simm.s32 @!p0 $0x1082;
	s9 =	sld [smem:$0x3FB2]  }
0x2f: {  	lr =	sadd.s32 s0, s3;
	s0 =	sld [smem:$0x3FA9]  }
0x30: {  	s3 =	sld [smem:$0x3FAC]  }
0x31: {  	[smem:$0x3FB5] =	sst s10  }
0x32: {  	s10 =	sld [smem:$0x3FB3];
	_ =	sdelay $0x3  }
0x33: {  	p0 =	seq.s32 s10, $0x1;
	s10 =	sld [smem:$0x3FB5];
	_ =	sdelay $0x3  }
0x34: {  	[smem:$0x3FB5] =	sst s10  }
0x35: {  	s10 =	sld [smem:$0x3FB4];
	_ =	sdelay $0x3  }
0x36: {  	p1 =	seq.s32 s10, $0x1;
	s10 =	sld [smem:$0x3FB5];
	_ =	sdelay $0x3  }
0x37: {  	[smem:$0x3FB5] =	sst s10  }
0x38: {  	s10 =	sld [smem:$0x3FB6]  }
0x39: {  	_ = 	snop;
	(pc) =	sbr.ind lr, $3  }
0x3a: {  	_ = 	snop  }
0x3b: {  	_ = 	snop  }
0x3c: {  	p2 =	seq.s32 s10, $0x1;
	s10 =	sld [smem:$0x3FB5]  }
0x3d: {  	_ =	shalt  }
0x3e: {  	_ =	shalt  }
0x3f: {  	_ =	shalt  }
0x40: {  	_ =	shalt  }
0x41: {  	_ =	shalt  }
0x42: {  	_ =	shalt  }
0x43: {  	_ =	shalt  }
0x44: {  	_ =	shalt  }
0x45: {  	_ =	shalt  }
0x46: {  	_ =	shalt  }
0x47: {  	_ =	shalt  }
0x48: {  	_ =	shalt  }
0x49: {  	_ =	shalt  }
0x4a: {  	_ =	shalt  }
0x4b: {  	_ =	shalt  }
0x4c: {  	_ =	shalt  }
0x4d: {  	_ =	shalt  }
0x4e: {  	_ =	shalt  }
0x4f: {  	_ =	shalt  }
0x50: {  	_ =	shalt  }
0x51: {  	_ =	shalt  }
0x52: {  	_ =	shalt  }
0x53: {  	_ =	shalt  }
0x54: {  	_ =	shalt  }
0x55: {  	_ =	shalt  }
0x56: {  	_ =	shalt  }
0x57: {  	_ =	shalt  }
0x58: {  	_ =	shalt  }
0x59: {  	_ =	shalt  }
0x5a: {  	_ =	shalt  }
0x5b: {  	_ =	shalt  }
0x5c: {  	_ =	shalt  }
0x5d: {  	_ =	shalt  }
0x5e: {  	_ =	shalt  }
0x5f: {  	_ =	shalt  }
0x60: {  	_ =	shalt  }
0x61: {  	_ =	shalt  }
0x62: {  	_ =	shalt  }
0x63: {  	_ =	shalt  }
0x64: {  	_ =	shalt  }
0x65: {  	_ =	shalt  }
0x66: {  	_ =	shalt  }
0x67: {  	_ =	shalt  }
0x68: {  	_ =	shalt  }
0x69: {  	_ =	shalt  }
0x6a: {  	_ =	shalt  }
0x6b: {  	_ =	shalt  }
0x6c: {  	_ =	shalt  }
0x6d: {  	_ =	shalt  }
0x6e: {  	_ =	shalt  }
0x6f: {  	_ =	shalt  }
0x70: {  	_ =	shalt  }
0x71: {  	_ =	shalt  }
0x72: {  	_ =	shalt  }
0x73: {  	_ =	shalt  }
0x74: {  	_ =	shalt  }
0x75: {  	_ =	shalt  }
0x76: {  	_ =	shalt  }
0x77: {  	_ =	shalt  }
0x78: {  	_ =	shalt  }
0x79: {  	_ =	shalt  }
0x7a: {  	_ =	shalt  }
0x7b: {  	_ =	shalt  }
0x7c: {  	_ =	shalt  }
0x7d: {  	_ =	shalt  }
0x7e: {  	_ =	shalt  }
0x7f: {  	_ =	shalt  }
0x80: {  	_ =	shalt  }
0x81: {  	_ =	shalt  }
0x82: {  	_ =	shalt  }
0x83: {  	_ =	shalt  }
0x84: {  	_ =	shalt  }
0x85: {  	_ =	shalt  }
0x86: {  	_ =	shalt  }
0x87: {  	_ =	shalt  }
.Lfunc_end0:
.L_simem_size_0:
called_computation.2_lowered:
.L_overlay_start_0:
0x88: {  	s2 =	sld [smem:$0x3FD9]  }
0x89: {  	s3 =	sld [smem:$0x3FFE];
	_ =	sdelay $0x1  }
0x8a: {  	s1 =	srdreg.scid  }
0x8b: {  	s0 =	sand.u32 $0x1, s1  }
0x8c: {  	s16 =	sshll.u32 s0, $0xA;
	s2 =	sadd.s32 s3, s2  }
0x8d: {  	s2 =	sadd.s32 s2, s16  }
0x8e: {  	[smem:$0x3FC1] =	sst s2  }
0x8f: {  	_ = 	snop  }
0x90: {  	(tm) =	ssettm $0x1  }
0x91: {  	s17 =	sld [smem:$0x3FFB];
	_ =	sdelay $0x3  }
0x92: {  	_ =	strace s17  }
0x93: {  	s2 =	sld [smem:$0x3FFC];
	_ =	sdelay $0x3  }
0x94: {  	_ =	strace s2  }
0x95: {  	s2 =	sld [smem:$0x3FFD];
	_ =	sdelay $0x3  }
0x96: {  	_ =	strace s2  }
0x97: {  	_ =	strace $0x8FFFFFFF  }
0x98: {  	s18 =	sld [smem:$0x3FDB];
	_ =	sdelay $0x1  }
0x99: {  	s19 =	simm.s32 $_scs_section_size  }
0x9a: {  	s4 =	simm.s32 $_size__tile_overlayer_lowered;
	s5 =	simm.s32 $_tile_overlayer_lowered  }
0x9b: {  	s22 =	simm.s32 $0x1BFF;
	s21 =	sshll.u32 s5, $0x1;
	s2 =	sadd.s32 s19, s18  }
0x9c: {  	s6 =	simm.s32 $0x0;
	s20 =	sshll.u32 s4, $0x1;
	s4 =	sadd.s32 s21, s2  }
0x9d: {  	[timem:s6], [sflag:s22] =	dma.local [hbm:s4], s20  }
0x9e: {  	_ =	swait.ge [sflag:s22], s20  }
0x9f: {  	s3 =	ssub.s32 $0x0, s20;
	[sflag:s22] =	ssyncset.done $0x0  }
0xa0: {  	[sflag:s22] =	ssyncadd.s32 s3;
	_ =	sdelay $0x1  }
0xa1: {  	s23 =	simm.s32 $0x1B8B  }
0xa2: {  	_ =	swait.ge [sflag:s23], $0x1  }
0xa3: {  	[sflag:s23] =	ssyncset.done $0x0  }
0xa4: {  	s25 =	simm.s32 $0x1B8E;
	s24 =	sld [smem:$0x3FFE];
	[sflag:s23] =	ssyncadd.s32 $0xFFFFFFFF  }
0xa5: {  	s26 =	simm.s32 $execute0_lowered;
	[smem:$0x3FD2] =	sst s25  }
0xa6: {  	s4 =	sshll.u32 s26, $0x1;
	_ =	strace $0x8000004C;
	[dreg:$0x1] =	wrdreg $0xFFFFFFFF  }
0xa7: {  	s28 =	simm.s32 $_size_execute0_lowered;
	s2 =	sadd.s32 s2, s4;
	[dreg:$0x0] =	wrdreg $0x0  }
0xa8: {  	s4 =	sshll.u32 s28, $0x1;
	[dreg:$0x2] =	wrdreg s2  }
0xa9: {  	[dreg:$0x3] =	wrdreg s4  }
0xaa: {  	[dreg:$0x4] =	wrdreg $0xC0  }
0xab: {  	_ =	task [dreg:s6], $0x5FFFF  }
0xac: {  	[dreg:$0x1] =	wrdreg $0xFFFFFFFF  }
0xad: {  	[dreg:$0x0] =	wrdreg $0x60  }
0xae: {  	[dreg:$0x2] =	wrdreg s24  }
0xaf: {  	[dreg:$0x3] =	wrdreg $0x13E200  }
0xb0: {  	[dreg:$0x4] =	wrdreg $0x9  }
0xb1: {  	_ =	task.clear_ibuf [dreg:s6], $0x5FFFF;
	_ =	strace $0x9000004C  }
0xb2: {  	s29 =	simm.s32 $0x9;
	_ =	strace $0x8000004E  }
0xb3: {  	_ =	swait.ge [sflag:s29], $0x1  }
0xb4: {  	[sflag:s29] =	ssyncadd.s32 $0xFFFFFFFF  }
0xb5: {  	_ =	strace $0x9000004E  }
0xb6: {  	_ =	sfence  }
0xb7: {  	s30 =	sld [smem:$0x0];
	_ =	sdelay $0x2  }
0xb8: {  	s31 =	sshll.u32 s1, $0xD;
	s1 =	sshrl.u32 s1, $0x2  }
0xb9: {  	s3 =	sand.u32 $0x4000, s31;
	s1 =	sadd.s32 s1, s30  }
0xba: {  	s0 =	sor.u32 s3, s0;
	s1 =	sshll.u32 s1, $0x11  }
0xbb: {  	s0 =	sor.u32 s1, s0  }
0xbc: {  	s0 =	sadd.s32 $0x8F2B, s0  }
0xbd: {  	[sflag:s0] =	ssyncadd.remote.s32 $0x1  }
0xbe: {  	_ =	sfence.sel $0xFFFF  }
0xbf: {  	[dreg:$0x0] =	wrdreg $0xFFFFFFFF;
	(pc) =	sbr.abs _section_cstart, $3  }
0xc0: {  	[dreg:$0x1] =	wrdreg $0xFFFFFFFF  }
0xc1: {  	_ =	task.clear_ibuf [dreg:s6], $0x2FFFF;
	_ =	strace $0x9FFFFFFF  }
0xc2: {  	(tm) =	ssettm $0x7FFFFFFF  }
0xc3: {  	_ =	shalt  }
tec
execute0_lowered:
.L_overlay_start_1:
0x0: {  	(tag) =	ssettag $0x1  }
0x1: {  	s0 =	srdreg.scid;
	s5 =	rddreg [dreg:$0x0]  }
0x2: {  	s11 =	stileid.u32;
	s2 =	rddreg [dreg:$0x1];
	s3 =	simm.s32 $0x0  }
0x3: {  	s13 =	simm.s32 $0x50;
	s19 =	simm.s32 $0x8A20;
	s20 =	simm.s32 $0x140  }
0x4: {  	s21 =	simm.s32 $0x9E20;
	s22 =	simm.s32 $0x190;
	s23 =	simm.s32 $0xB220  }
0x5: {  	s24 =	simm.s32 $0x18;
	s28 =	simm.s32 $0xF;
	s29 =	simm.s32 $0x10  }
0x6: {  	s30 =	simm.s32 $0x11;
	s31 =	simm.s32 $0x0;
	s0 =	sand.u32 $0x1, s0  }
0x7: {  	s1 =	sshll.u32 s11, $0x1;
	s7 =	smul.u32 $0x9C00, s11;
	[smem:$0x7FF] =	sst s3  }
0x8: {  	s4 =	sadd.s32 $0x15A00, s5;
	s26 =	sshll.u32 s11, $0x6;
	s1 =	sor.u32 s0, s1  }
0x9: {  	s6 =	smul.u32 $0x9C400, s0;
	_ =	strace $0x8000004D;
	s0 =	ssub.s32 $0x2, s0  }
0xa: {  	s11 =	sor.u32 $0x1C19, s26;
	s26 =	simm.s32 $0xE;
	s1 =	smul.u32 $0x2710, s1  }
0xb: {  	s8 =	sshrl.u32 s7, $0x3;
	s9 =	sshrl.u32 s0, $0x1;
	s25 =	sadd.s32 s7, s2  }
0xc: {  	s6 =	sadd.s32 s7, s6;
	s8 =	sadd.s32 s8, s5;
	s0 =	ssub.s32 s0, s9  }
0xd: {  	s12 =	sshrl.u32 s25, $0x3;
	s25 =	simm.s32 $0xD;
	s1 =	sshrl.u32 s1, $0x3  }
0xe: {  	s6 =	sshrl.u32 s6, $0x3;
	s7 =	sadd.s32 $0x29400, s8;
	s1 =	sadd.s32 s1, s5  }
0xf: {  	s9 =	smax.u32 s0, $0x1;
	s10 =	sadd.s32 s6, s5;
	s5 =	sadd.s32 $0x2000, s1  }
0x10: {  	s6 =	sadd.s32 $0xBC40, s1;
	s8 =	sadd.s32 $0x3CE00, s10;
	s10 =	simm.s32 $0x19  }
.LBB2_1:
0x11: {  	[tilespmem:s3], [sflag:$0x19] =	stream.linear.gather [hbm4b:s5+s3], $0x2710, $0x38;
	[tilespmem:$0x1DA60] =	vst v63  }
0x12: {  	_ =	swait.ge [sflag:s10], $0x2710  }
0x13: {  	[sflag:s10] =	ssyncset.done $0x0  }
0x14: {  	s1 =	simm.s32 $0x2710;
	[sflag:s10] =	ssyncadd.s32 $0xFFFFD8F0  }
0x15: {  	[tilespmem:s1], [sflag:$0x19] =	stream.linear.gather [hbm4b:s6+s3], $0x2710, $0x38;
	[tilespmem:$0x1DA60] =	vst v63  }
0x16: {  	_ =	swait.ge [sflag:s10], $0x2710  }
0x17: {  	[sflag:s10] =	ssyncset.done $0x0  }
0x18: {  	[sflag:s10] =	ssyncadd.s32 $0xFFFFD8F0  }
0x19: {  	[spmem:s12], [sflag:s11] =	dma.local [hbm:s7], $0x1400  }
0x1a: {  	_ =	swait.ge [sflag:s10], $0x1400  }
0x1b: {  	[sflag:s10] =	ssyncset.done $0x0  }
0x1c: {  	[sflag:s10] =	ssyncadd.s32 $0xFFFFEC00  }
0x1d: {  	s0 =	simm.s32 $0x4E20;
	[bflag:$0x0] =	sbarrier.arrive $0xFFFF  }
0x1e: {  	[tilespmem:s0], [sflag:$0x1] =	stream.indirect.gather [hbm4b:s4+s13], $0x40, s3, s13, $0xb8;
	[tilespmem:$0x1DA60] =	vst v63  }
0x1f: {  	s16 =	simm.s32 $0x6220  }
0x20: {  	[tilespmem:s16], [sflag:$0x2] =	stream.indirect.gather [hbm4b:s4+s13], $0x40, s13, s13, $0xb8;
	[tilespmem:$0x1DA60] =	vst v63  }
0x21: {  	s17 =	simm.s32 $0xA0;
	s14 =	simm.s32 $0x7620  }
0x22: {  	[tilespmem:s14], [sflag:$0x3] =	stream.indirect.gather [hbm4b:s4+s13], $0x40, s17, s13, $0xb8;
	[tilespmem:$0x1DA60] =	vst v63  }
0x23: {  	s18 =	simm.s32 $0xF0  }
0x24: {  	[tilespmem:s19], [sflag:$0x4] =	stream.indirect.gather [hbm4b:s4+s13], $0x40, s18, s13, $0xb8;
	[tilespmem:$0x1DA60] =	vst v63  }
0x25: {  	_ = 	snop  }
0x26: {  	[tilespmem:s21], [sflag:$0x5] =	stream.indirect.gather [hbm4b:s4+s13], $0x40, s20, s13, $0xb8;
	[tilespmem:$0x1DA60] =	vst v63  }
0x27: {  	s0 =	simm.s32 $0x1E0;
	s14 =	simm.s32 $0x0  }
0x28: {  	[tilespmem:s23], [sflag:$0x6] =	stream.indirect.gather [hbm4b:s4+s13], $0x40, s22, s13, $0xb8;
	[tilespmem:$0x1DA60] =	vst v63  }
.LBB2_2:
0x29: {  	s15 =	smul.u32 $0xAB, s14;
	_ =	sdelay $0x1  }
0x2a: {  	s16 =	sshrl.u32 s15, $0xB  }
0x2b: {  	s15 =	sadd.s32 $0x402, s15;
	s16 =	sand.u32 $0x1F, s16  }
0x2c: {  	s15 =	sshrl.u32 s15, $0xB;
	s16 =	smul.u32 $0xC, s16  }
0x2d: {  	s15 =	sand.u32 $0x1F, s15  }
0x2e: {  	s15 =	smul.u32 $0xC, s15;
	s16 =	ssub.s32 s14, s16  }
0x2f: {  	s16 =	sand.u32 $0xFF, s16  }
0x30: {  	s15 =	ssub.s32 s14, s15;
	s17 =	smul.u32 $0x5000, s16;
	s18 =	sadd.s32 $0x1, s16  }
0x31: {  	p0 =	slt.u32 s14, $0x6;
	s15 =	sadd.s32 $0x6, s15;
	_ =	swait.ge [sflag:s18], $0x1400  }
0x32: {  	s16 =	sadd.s32 $0xD, s16;
	s17 =	sshrl.u32 s17, $0x2;
	[sflag:s18] =	ssyncset.done $0x0  }
0x33: {  	s15 =	sand.u32 $0xFF, s15;
	s17 =	sadd.s32 $0x4E20, s17;
	[sflag:s18] =	ssyncadd.s32 $0xFFFFEC00  }
0x34: {  	[spmem:s2] =	stream.indirect.scatter.add.f32 [tilespmem:s17], [sflag:s16], $0x40, s1, s13, $0xb8;
	[tilespmem:$0x1DA60] =	vst v63  }
0x35: {  	s16 =	sadd.s32 @!p0 $0xD, s15  }
0x36: {  	p1 =	sgt.u32 @!p0 s14, $0x76;
	_ =	swait.ge @!p0 [sflag:s16], $0x1400  }
0x37: {  	p1 =	por p0, !p1;
	s14 =	sadd.s32 $0x1, s14;
	[sflag:s16] =	ssyncset.done @!p0 $0x0  }
0x38: {  	[sflag:s16] =	ssyncadd.s32 @!p0 $0xFFFFEC00;
	s16 =	smul.u32 @p1 $0x5000, s15;
	p0 =	sne.s32 s14, $0x7D  }
.Ltmp0:
0x39: {  	_ = 	snop;
	(pc) =	sbr.rel @p0 .LBB2_2-.Ltmp0, $4  }
0x3a: {  	s16 =	sshrl.u32 @p1 s16, $0x2  }
0x3b: {  	s15 =	sadd.s32 @p1 $0x1, s15;
	s16 =	sadd.s32 @p1 $0x4E20, s16  }
0x3c: {  	[tilespmem:s16], [sflag:s15] =	stream.indirect.gather @p1 [hbm4b:s4+s13], $0x40, s0, s13, $0xb8;
	[tilespmem:$0x1DA60] =	vst v63  }
0x3d: {  	s1 =	sadd.s32 $0x50, s1;
	s0 =	sadd.s32 $0x50, s0  }
0x3e: {  	_ =	swait.ge [sflag:s24], $0x1400  }
0x3f: {  	[sflag:s24] =	ssyncset.done $0x0  }
0x40: {  	[sflag:s24] =	ssyncadd.s32 $0xFFFFEC00  }
0x41: {  	_ =	swait.ge [sflag:s25], $0x1400  }
0x42: {  	[sflag:s25] =	ssyncset.done $0x0  }
0x43: {  	[sflag:s25] =	ssyncadd.s32 $0xFFFFEC00  }
0x44: {  	_ =	swait.ge [sflag:s26], $0x1400  }
0x45: {  	[sflag:s26] =	ssyncset.done $0x0  }
0x46: {  	[sflag:s26] =	ssyncadd.s32 $0xFFFFEC00  }
0x47: {  	_ =	swait.ge [sflag:s28], $0x1400  }
0x48: {  	[sflag:s28] =	ssyncset.done $0x0  }
0x49: {  	[sflag:s28] =	ssyncadd.s32 $0xFFFFEC00  }
0x4a: {  	_ =	swait.ge [sflag:s29], $0x1400  }
0x4b: {  	[sflag:s29] =	ssyncset.done $0x0  }
0x4c: {  	[sflag:s29] =	ssyncadd.s32 $0xFFFFEC00  }
0x4d: {  	_ =	swait.ge [sflag:s30], $0x1400  }
0x4e: {  	s31 =	sadd.s32 $0x1, s31;
	[sflag:s30] =	ssyncset.done $0x0  }
0x4f: {  	p0 =	sne.s32 s31, s9;
	[sflag:s30] =	ssyncadd.s32 $0xFFFFEC00  }
.Ltmp1:
0x50: {  	[bflag:$0x0] =	sbarrier.arrive $0xFFFF;
	(pc) =	sbr.rel @p0 .LBB2_1-.Ltmp1, $4  }
0x51: {  	[hbm:s8], [sflag:s11] =	dma.local [spmem:s12], $0x1400  }
0x52: {  	_ =	swait.ge [sflag:s10], $0x1400  }
0x53: {  	[sflag:s10] =	ssyncset.done $0x0  }
0x54: {  	[sflag:s10] =	ssyncadd.s32 $0xFFFFEC00  }
0x55: {  	_ =	sfence.sel $0x180000  }
0x56: {  	[bflag:$0x0] =	sbarrier.arrive $0xFFFF  }
0x57: {  	_ =	strace $0x9000004D  }
0x58: {  	s0 =	stileid.u32;
	[bflag:$0x2] =	sbarrier.arrive $0xFFFF  }
0x59: {  	p0 =	sne.s32 s0, $0x0;
	s0 =	rddreg [dreg:$0x2]  }
0x5a: {  	s0 =	sadd.s32 @!p0 $0x100000, s0  }
0x5b: {  	[sflag:s0] =	ssyncadd.tile.s32 @!p0 $0x1;
	_ =	shalt  }
.Lfunc_end2:
_tile_overlayer_lowered:
.L_overlay_start_2:
0x5c: {  	(tag) =	ssettag $0x2  }
0x5d: {  	s0 =	rddreg [dreg:$0x0];
	s2 =	stileid.u32  }
0x5e: {  	s1 =	rddreg [dreg:$0x1];
	p0 =	sne.s32 s2, $0x0  }
0x5f: {  	s3 =	rddreg [dreg:$0x2];
	[bflag:$0x3] =	sbarrier.arrive $0xFFFF;
	s2 =	simm.s32 @!p0 $0x1C19  }
0x60: {  	[timem:s3], [sflag:s2] =	dma.local @!p0 [hbm:s0], s1  }
0x61: {  	s0 =	simm.s32 @!p0 $0x19  }
0x62: {  	_ =	swait.ge @!p0 [sflag:s0], s1  }
0x63: {  	s1 =	ssub.s32 @!p0 $0x0, s1;
	[sflag:s0] =	ssyncset.done @!p0 $0x0  }
0x64: {  	[sflag:s0] =	ssyncadd.s32 @!p0 s1  }
0x65: {  	[bflag:$0x3] =	sbarrier.arrive $0xFFFF  }
0x66: {  	_ =	shalt  }

// kernel: kernel.9.cloned.1.call-start
scs
__scs_entry_jumppad:
0x0: {  	(pc) =	sbr.rel $0x88, $3  }
0x1: {  	(tag) =	ssettag $0x0;
	lr =	simm.s32 $0x1  }
0x2: {  	[smem:$0x3F9A] =	sst lr;
	_ =	strace $0xD0000000  }
0x3: {  	_ = 	snop  }
0x4: {  	_ = 	snop  }
0x5: {  	_ = 	snop  }
0x6: {  	_ = 	snop  }
0x7: {  	_ = 	snop  }
__scs_overlays_trampoline_lowered:
0x8: {  	[smem:$0x3FA9] =	sst s0  }
0x9: {  	[smem:$0x3FAA] =	sst s1  }
0xa: {  	[smem:$0x3FAB] =	sst s2  }
0xb: {  	[smem:$0x3FAC] =	sst s3  }
0xc: {  	[smem:$0x3FAD] =	sst s4  }
0xd: {  	[smem:$0x3FAE] =	sst s5  }
0xe: {  	[smem:$0x3FAF] =	sst s6  }
0xf: {  	[smem:$0x3FB0] =	sst s7  }
0x10: {  	[smem:$0x3FB1] =	sst s8  }
0x11: {  	[smem:$0x3FB2] =	sst s9;
	s0 =	simm.s32 @!p0 $0x0  }
0x12: {  	s1 =	sld [smem:$0x3F98];
	s0 =	simm.s32 @p0 $0x1  }
0x13: {  	[smem:$0x3FB3] =	sst s0;
	s0 =	simm.s32 @!p1 $0x0  }
0x14: {  	s2 =	sld [smem:$0x3F97];
	s0 =	simm.s32 @p1 $0x1  }
0x15: {  	[smem:$0x3FB4] =	sst s0;
	s0 =	simm.s32 @!p2 $0x0  }
0x16: {  	s3 =	sld [smem:$0x3FDB];
	s0 =	simm.s32 @p2 $0x1  }
0x17: {  	s4 =	simm.s32 $0x1BF5;
	[smem:$0x3FB6] =	sst s0  }
0x18: {  	s0 =	sld [smem:$0x3F99];
	_ =	swait.ge [sflag:s4], $0x0  }
0x19: {  	s7 =	sld [smem:$0x3F9A]  }
0x1a: {  	s8 =	sadd.s32 $0xFFFFE003, lr  }
0x1b: {  	s9 =	sadd.s32 $0xFFFFFEF7, lr;
	s5 =	simm.s32 $0xFFFFFFFF;
	p2 =	slt.u32 s8, $0xFFFFF086  }
0x1c: {  	p1 =	slt.u32 s9, $0xF7A;
	s5 =	simm.s32 @!p2 $0x0  }
0x1d: {  	s5 =	simm.s32 @p1 $0x1;
	p0 =	seq.s32 s7, s2  }
0x1e: {  	s7 =	smul.u32 @!p0 $0xF7A, s2;
	p2 =	seq.s32 @!p0 s5, $0x0  }
0x1f: {  	s9 =	smul.u32 $0xF7A, s1;
	s8 =	simm.s32 @!p0 $0x1BF5;
	p2 =	por !p2, p0  }
0x20: {  	[sflag:s8] =	ssyncset.s32 @!p0 $0xFFFFF086;
	s6 =	sadd.s32 @!p0 s3, s7;
	s7 =	simm.s32 @!p0 $0x108  }
0x21: {  	s3 =	sadd.s32 s3, s9;
	s6 =	sadd.s32 @!p0 $0x88, s6;
	s7 =	simm.s32 @p2 $0x1082  }
0x22: {  	[simem:s7], [sflag:s8] =	dma.local @!p0 [hbm:s6], $0xF7A  }
0x23: {  	s9 =	sor.u32 $0xD0000000, s2;
	s6 =	simm.s32 $0x108;
	_ =	swait.ge @!p0 [sflag:s8], $0x0  }
0x24: {  	s3 =	sadd.s32 $0x88, s3;
	s6 =	simm.s32 @!p1 $0x1082;
	[sflag:s4] =	ssyncset.s32 $0xFFFFF086  }
0x25: {  	[simem:s6], [sflag:s4] =	dma.local [hbm:s3], $0xF7A  }
0x26: {  	[smem:$0x3F9A] =	sst s1;
	(tag) =	ssettag s2;
	_ =	strace s9  }
0x27: {  	s1 =	sld [smem:$0x3FAA]  }
0x28: {  	s2 =	sld [smem:$0x3FAB]  }
0x29: {  	s4 =	sld [smem:$0x3FAD]  }
0x2a: {  	p0 =	seq.s32 s5, $0x0;
	s5 =	sld [smem:$0x3FAE]  }
0x2b: {  	s6 =	sld [smem:$0x3FAF]  }
0x2c: {  	s7 =	sld [smem:$0x3FB0]  }
0x2d: {  	s3 =	simm.s32 $0x108;
	s8 =	sld [smem:$0x3FB1]  }
0x2e: {  	s3 =	simm.s32 @!p0 $0x1082;
	s9 =	sld [smem:$0x3FB2]  }
0x2f: {  	lr =	sadd.s32 s0, s3;
	s0 =	sld [smem:$0x3FA9]  }
0x30: {  	s3 =	sld [smem:$0x3FAC]  }
0x31: {  	[smem:$0x3FB5] =	sst s10  }
0x32: {  	s10 =	sld [smem:$0x3FB3];
	_ =	sdelay $0x3  }
0x33: {  	p0 =	seq.s32 s10, $0x1;
	s10 =	sld [smem:$0x3FB5];
	_ =	sdelay $0x3  }
0x34: {  	[smem:$0x3FB5] =	sst s10  }
0x35: {  	s10 =	sld [smem:$0x3FB4];
	_ =	sdelay $0x3  }
0x36: {  	p1 =	seq.s32 s10, $0x1;
	s10 =	sld [smem:$0x3FB5];
	_ =	sdelay $0x3  }
0x37: {  	[smem:$0x3FB5] =	sst s10  }
0x38: {  	s10 =	sld [smem:$0x3FB6]  }
0x39: {  	_ = 	snop;
	(pc) =	sbr.ind lr, $3  }
0x3a: {  	_ = 	snop  }
0x3b: {  	_ = 	snop  }
0x3c: {  	p2 =	seq.s32 s10, $0x1;
	s10 =	sld [smem:$0x3FB5]  }
0x3d: {  	_ =	shalt  }
0x3e: {  	_ =	shalt  }
0x3f: {  	_ =	shalt  }
0x40: {  	_ =	shalt  }
0x41: {  	_ =	shalt  }
0x42: {  	_ =	shalt  }
0x43: {  	_ =	shalt  }
0x44: {  	_ =	shalt  }
0x45: {  	_ =	shalt  }
0x46: {  	_ =	shalt  }
0x47: {  	_ =	shalt  }
0x48: {  	_ =	shalt  }
0x49: {  	_ =	shalt  }
0x4a: {  	_ =	shalt  }
0x4b: {  	_ =	shalt  }
0x4c: {  	_ =	shalt  }
0x4d: {  	_ =	shalt  }
0x4e: {  	_ =	shalt  }
0x4f: {  	_ =	shalt  }
0x50: {  	_ =	shalt  }
0x51: {  	_ =	shalt  }
0x52: {  	_ =	shalt  }
0x53: {  	_ =	shalt  }
0x54: {  	_ =	shalt  }
0x55: {  	_ =	shalt  }
0x56: {  	_ =	shalt  }
0x57: {  	_ =	shalt  }
0x58: {  	_ =	shalt  }
0x59: {  	_ =	shalt  }
0x5a: {  	_ =	shalt  }
0x5b: {  	_ =	shalt  }
0x5c: {  	_ =	shalt  }
0x5d: {  	_ =	shalt  }
0x5e: {  	_ =	shalt  }
0x5f: {  	_ =	shalt  }
0x60: {  	_ =	shalt  }
0x61: {  	_ =	shalt  }
0x62: {  	_ =	shalt  }
0x63: {  	_ =	shalt  }
0x64: {  	_ =	shalt  }
0x65: {  	_ =	shalt  }
0x66: {  	_ =	shalt  }
0x67: {  	_ =	shalt  }
0x68: {  	_ =	shalt  }
0x69: {  	_ =	shalt  }
0x6a: {  	_ =	shalt  }
0x6b: {  	_ =	shalt  }
0x6c: {  	_ =	shalt  }
0x6d: {  	_ =	shalt  }
0x6e: {  	_ =	shalt  }
0x6f: {  	_ =	shalt  }
0x70: {  	_ =	shalt  }
0x71: {  	_ =	shalt  }
0x72: {  	_ =	shalt  }
0x73: {  	_ =	shalt  }
0x74: {  	_ =	shalt  }
0x75: {  	_ =	shalt  }
0x76: {  	_ =	shalt  }
0x77: {  	_ =	shalt  }
0x78: {  	_ =	shalt  }
0x79: {  	_ =	shalt  }
0x7a: {  	_ =	shalt  }
0x7b: {  	_ =	shalt  }
0x7c: {  	_ =	shalt  }
0x7d: {  	_ =	shalt  }
0x7e: {  	_ =	shalt  }
0x7f: {  	_ =	shalt  }
0x80: {  	_ =	shalt  }
0x81: {  	_ =	shalt  }
0x82: {  	_ =	shalt  }
0x83: {  	_ =	shalt  }
0x84: {  	_ =	shalt  }
0x85: {  	_ =	shalt  }
0x86: {  	_ =	shalt  }
0x87: {  	_ =	shalt  }
.Lfunc_end0:
.L_simem_size_0:
called_computation_lowered:
.L_overlay_start_0:
0x88: {  	s2 =	sld [smem:$0x3FD9]  }
0x89: {  	s3 =	sld [smem:$0x3FFE];
	_ =	sdelay $0x1  }
0x8a: {  	s1 =	srdreg.scid  }
0x8b: {  	s0 =	sand.u32 $0x1, s1  }
0x8c: {  	s16 =	sshll.u32 s0, $0xA;
	s2 =	sadd.s32 s3, s2  }
0x8d: {  	s2 =	sadd.s32 s2, s16  }
0x8e: {  	[smem:$0x3FC1] =	sst s2  }
0x8f: {  	_ = 	snop  }
0x90: {  	(tm) =	ssettm $0x1  }
0x91: {  	s17 =	sld [smem:$0x3FFB];
	_ =	sdelay $0x3  }
0x92: {  	_ =	strace s17  }
0x93: {  	s2 =	sld [smem:$0x3FFC];
	_ =	sdelay $0x3  }
0x94: {  	_ =	strace s2  }
0x95: {  	s2 =	sld [smem:$0x3FFD];
	_ =	sdelay $0x3  }
0x96: {  	_ =	strace s2  }
0x97: {  	_ =	strace $0x8FFFFFFF  }
0x98: {  	s18 =	sld [smem:$0x3FDB];
	_ =	sdelay $0x1  }
0x99: {  	s19 =	simm.s32 $_scs_section_size  }
0x9a: {  	s4 =	simm.s32 $_size__tile_overlayer_lowered;
	s5 =	simm.s32 $_tile_overlayer_lowered  }
0x9b: {  	s22 =	simm.s32 $0x1BFF;
	s21 =	sshll.u32 s5, $0x1;
	s2 =	sadd.s32 s19, s18  }
0x9c: {  	s6 =	simm.s32 $0x0;
	s20 =	sshll.u32 s4, $0x1;
	s4 =	sadd.s32 s21, s2  }
0x9d: {  	[timem:s6], [sflag:s22] =	dma.local [hbm:s4], s20  }
0x9e: {  	_ =	swait.ge [sflag:s22], s20  }
0x9f: {  	s3 =	ssub.s32 $0x0, s20;
	[sflag:s22] =	ssyncset.done $0x0  }
0xa0: {  	[sflag:s22] =	ssyncadd.s32 s3;
	_ =	sdelay $0x1  }
0xa1: {  	s23 =	simm.s32 $0x1B8B  }
0xa2: {  	_ =	swait.ge [sflag:s23], $0x1  }
0xa3: {  	[sflag:s23] =	ssyncset.done $0x0  }
0xa4: {  	s25 =	simm.s32 $0x1B8E;
	s24 =	sld [smem:$0x3FFE];
	[sflag:s23] =	ssyncadd.s32 $0xFFFFFFFF  }
0xa5: {  	s26 =	simm.s32 $execute0_lowered;
	[smem:$0x3FD2] =	sst s25  }
0xa6: {  	s4 =	sshll.u32 s26, $0x1;
	_ =	strace $0x80000046;
	[dreg:$0x1] =	wrdreg $0xFFFFFFFF  }
0xa7: {  	s28 =	simm.s32 $_size_execute0_lowered;
	s2 =	sadd.s32 s2, s4;
	[dreg:$0x0] =	wrdreg $0x0  }
0xa8: {  	s4 =	sshll.u32 s28, $0x1;
	[dreg:$0x2] =	wrdreg s2  }
0xa9: {  	[dreg:$0x3] =	wrdreg s4  }
0xaa: {  	[dreg:$0x4] =	wrdreg $0xC0  }
0xab: {  	_ =	task [dreg:s6], $0x5FFFF  }
0xac: {  	[dreg:$0x1] =	wrdreg $0xFFFFFFFF  }
0xad: {  	[dreg:$0x0] =	wrdreg $0x60  }
0xae: {  	[dreg:$0x2] =	wrdreg s24  }
0xaf: {  	[dreg:$0x3] =	wrdreg $0x2C100  }
0xb0: {  	[dreg:$0x4] =	wrdreg $0x9  }
0xb1: {  	_ =	task.clear_ibuf [dreg:s6], $0x5FFFF;
	_ =	strace $0x90000046  }
0xb2: {  	s29 =	simm.s32 $0x9;
	_ =	strace $0x80000048  }
0xb3: {  	_ =	swait.ge [sflag:s29], $0x1  }
0xb4: {  	[sflag:s29] =	ssyncadd.s32 $0xFFFFFFFF  }
0xb5: {  	_ =	strace $0x90000048  }
0xb6: {  	_ =	sfence  }
0xb7: {  	s30 =	sld [smem:$0x0];
	_ =	sdelay $0x2  }
0xb8: {  	s31 =	sshll.u32 s1, $0xD;
	s1 =	sshrl.u32 s1, $0x2  }
0xb9: {  	s3 =	sand.u32 $0x4000, s31;
	s1 =	sadd.s32 s1, s30  }
0xba: {  	s0 =	sor.u32 s3, s0;
	s1 =	sshll.u32 s1, $0x11  }
0xbb: {  	s0 =	sor.u32 s1, s0  }
0xbc: {  	s0 =	sadd.s32 $0x8F2B, s0  }
0xbd: {  	[sflag:s0] =	ssyncadd.remote.s32 $0x1  }
0xbe: {  	_ =	sfence.sel $0xFFFF  }
0xbf: {  	[dreg:$0x0] =	wrdreg $0xFFFFFFFF;
	(pc) =	sbr.abs _section_cstart, $3  }
0xc0: {  	[dreg:$0x1] =	wrdreg $0xFFFFFFFF  }
0xc1: {  	_ =	task.clear_ibuf [dreg:s6], $0x2FFFF;
	_ =	strace $0x9FFFFFFF  }
0xc2: {  	(tm) =	ssettm $0x7FFFFFFF  }
0xc3: {  	_ =	shalt  }
tec
execute0_lowered:
.L_overlay_start_1:
0x0: {  	(tag) =	ssettag $0x1  }
0x1: {  	s4 =	rddreg [dreg:$0x0]  }
0x2: {  	s2 =	rddreg [dreg:$0x1]  }
0x3: {  	s0 =	rddreg [dreg:$0x2]  }
0x4: {  	s1 =	stileid.u32;
	s3 =	srdreg.scid  }
0x5: {  	s11 =	simm.s32 $0x50;
	s12 =	simm.s32 $0x2710;
	s13 =	simm.s32 $0x6  }
0x6: {  	s14 =	simm.s32 $0x7;
	s15 =	simm.s32 $0x8;
	s16 =	simm.s32 $0x1  }
0x7: {  	s17 =	simm.s32 $0x2;
	s18 =	simm.s32 $0x3;
	s19 =	simm.s32 $0x4  }
0x8: {  	s20 =	simm.s32 $0x5;
	s21 =	simm.s32 $0x0;
	s5 =	smul.u32 $0x2700, s1  }
0x9: {  	s6 =	sand.u32 $0x1, s3;
	s7 =	sshll.u32 s1, $0x1;
	s3 =	simm.s32 $0x0  }
0xa: {  	s31 =	sshll.u32 s1, $0x6;
	s8 =	smul.u32 $0x27100, s6;
	s7 =	sor.u32 s6, s7  }
0xb: {  	[smem:$0x7FF] =	sst s3;
	s6 =	ssub.s32 $0x2, s6;
	s9 =	sshrl.u32 s5, $0x3  }
0xc: {  	s7 =	smul.u32 $0x2710, s7;
	_ =	strace $0x80000047;
	s10 =	sshrl.u32 s6, $0x1  }
0xd: {  	s30 =	sadd.s32 s5, s2;
	s9 =	sadd.s32 s9, s4;
	s8 =	sadd.s32 s5, s8  }
0xe: {  	s29 =	ssub.s32 s6, s10;
	s10 =	sshrl.u32 s30, $0x3;
	s8 =	sshrl.u32 s8, $0x3  }
0xf: {  	s7 =	sshrl.u32 s7, $0x3;
	s5 =	sadd.s32 $0x15A00, s9;
	s9 =	sor.u32 $0x1C09, s31  }
0x10: {  	s8 =	sadd.s32 s8, s4;
	s4 =	sadd.s32 s4, s7;
	s7 =	smax.u32 s29, $0x1  }
0x11: {  	v0 =	vimm.f32 $1.000000000e+00;
	s4 =	sadd.s32 $0xBC40, s4;
	s6 =	sadd.s32 $0x1AA00, s8;
	s8 =	simm.s32 $0x9  }
.LBB2_1:
0x12: {  	[tilespmem:s3], [sflag:$0x9] =	stream.linear.gather [hbm4b:s4+s3], $0x2710, $0x38;
	[tilespmem:$0x5320] =	vst v63  }
0x13: {  	_ =	swait.ge [sflag:s8], $0x2710  }
0x14: {  	[sflag:s8] =	ssyncset.done $0x0  }
0x15: {  	[sflag:s8] =	ssyncadd.s32 $0xFFFFD8F0  }
0x16: {  	[spmem:s10], [sflag:s9] =	dma.local [hbm:s5], $0x500  }
0x17: {  	_ =	swait.ge [sflag:s8], $0x500  }
0x18: {  	[sflag:s8] =	ssyncset.done $0x0  }
0x19: {  	s22 =	simm.s32 $0x40;
	s23 =	simm.s32 $0x0;
	[sflag:s8] =	ssyncadd.s32 $0xFFFFFB00  }
.LBB2_2:
0x1a: {  	p0 =	sne.s32 s22, $0x13C0;
	[tilespmem:s23+$0x2710] =	vst v0;
	s23 =	smov.u32 s22;
	s22 =	sadd.s32 $0x40, s22  }
.Ltmp0:
0x1b: {  	(pc) =	sbr.rel @p0 .LBB2_2-.Ltmp0, $2  }
0x1c: {  	_ =	sdelay $0x2  }
0x1d: {  	s23 =	sshra.s32 s23, $0x2  }
0x1e: {  	s22 =	simm.s32 $0x0  }
0x1f: {  	[tilespmem:s23+$0x2710] =	vst v0;
	p0 =	por $0x1, $0x1;
	s24 =	sand.u32 $0x7, s22  }
0x20: {  	[bflag:$0x0] =	sbarrier.arrive $0xFFFF;
	s25 =	sadd.s32 @!p0 $0x1, s24  }
0x21: {  	_ =	swait.ge @!p0 [sflag:s25], $0x500  }
0x22: {  	s23 =	simm.s32 $0x1;
	[sflag:s25] =	ssyncset.done @!p0 $0x0  }
0x23: {  	[sflag:s25] =	ssyncadd.s32 @!p0 $0xFFFFFB00;
	s25 =	sadd.s32 $0x1, s24;
	s24 =	simm.s32 $0x50  }
.LBB2_4:
0x24: {  	[spmem:s2] =	stream.indirect.scatter.add.f32 [tilespmem:s12], [sflag:s25], $0x10, s22, s11, $0xb8;
	[tilespmem:$0x5320] =	vst v63  }
0x25: {  	s25 =	sand.u32 $0x7, s23;
	p0 =	slt.u32 s23, $0x8;
	s23 =	sadd.s32 $0x1, s23  }
0x26: {  	p1 =	sne.s32 s23, $0x7D  }
.Ltmp1:
0x27: {  	(pc) =	sbr.rel @p1 .LBB2_4-.Ltmp1, $4  }
0x28: {  	s22 =	smov.u32 s24;
	s26 =	sadd.s32 @!p0 $0x1, s25  }
0x29: {  	_ =	swait.ge @!p0 [sflag:s26], $0x500  }
0x2a: {  	[sflag:s26] =	ssyncset.done @!p0 $0x0  }
0x2b: {  	s24 =	sadd.s32 $0x50, s24;
	s25 =	sadd.s32 $0x1, s25;
	[sflag:s26] =	ssyncadd.s32 @!p0 $0xFFFFFB00  }
0x2c: {  	[spmem:s2] =	stream.indirect.scatter.add.f32 [tilespmem:s12], [sflag:s25], $0x10, s22, s11, $0xb8;
	[tilespmem:$0x5320] =	vst v63  }
0x2d: {  	_ =	swait.ge [sflag:s13], $0x500  }
0x2e: {  	[sflag:s13] =	ssyncset.done $0x0  }
0x2f: {  	[sflag:s13] =	ssyncadd.s32 $0xFFFFFB00  }
0x30: {  	_ =	swait.ge [sflag:s14], $0x500  }
0x31: {  	[sflag:s14] =	ssyncset.done $0x0  }
0x32: {  	[sflag:s14] =	ssyncadd.s32 $0xFFFFFB00  }
0x33: {  	_ =	swait.ge [sflag:s15], $0x500  }
0x34: {  	[sflag:s15] =	ssyncset.done $0x0  }
0x35: {  	[sflag:s15] =	ssyncadd.s32 $0xFFFFFB00  }
0x36: {  	_ =	swait.ge [sflag:s16], $0x500  }
0x37: {  	[sflag:s16] =	ssyncset.done $0x0  }
0x38: {  	[sflag:s16] =	ssyncadd.s32 $0xFFFFFB00  }
0x39: {  	_ =	swait.ge [sflag:s17], $0x500  }
0x3a: {  	[sflag:s17] =	ssyncset.done $0x0  }
0x3b: {  	[sflag:s17] =	ssyncadd.s32 $0xFFFFFB00  }
0x3c: {  	_ =	swait.ge [sflag:s18], $0x500  }
0x3d: {  	[sflag:s18] =	ssyncset.done $0x0  }
0x3e: {  	[sflag:s18] =	ssyncadd.s32 $0xFFFFFB00  }
0x3f: {  	_ =	swait.ge [sflag:s19], $0x500  }
0x40: {  	[sflag:s19] =	ssyncset.done $0x0  }
0x41: {  	[sflag:s19] =	ssyncadd.s32 $0xFFFFFB00  }
0x42: {  	_ =	swait.ge [sflag:s20], $0x500  }
0x43: {  	s21 =	sadd.s32 $0x1, s21;
	[sflag:s20] =	ssyncset.done $0x0  }
0x44: {  	p0 =	sne.s32 s21, s7;
	[sflag:s20] =	ssyncadd.s32 $0xFFFFFB00  }
.Ltmp2:
0x45: {  	[bflag:$0x0] =	sbarrier.arrive $0xFFFF;
	(pc) =	sbr.rel @p0 .LBB2_1-.Ltmp2, $4  }
0x46: {  	[hbm:s6], [sflag:s9] =	dma.local [spmem:s10], $0x500  }
0x47: {  	_ =	swait.ge [sflag:s8], $0x500  }
0x48: {  	[sflag:s8] =	ssyncset.done $0x0  }
0x49: {  	[sflag:s8] =	ssyncadd.s32 $0xFFFFFB00  }
0x4a: {  	_ =	sfence.sel $0x180000  }
0x4b: {  	[bflag:$0x0] =	sbarrier.arrive $0xFFFF  }
0x4c: {  	p0 =	sne.s32 s1, $0x0;
	_ =	strace $0x90000047  }
0x4d: {  	s0 =	sadd.s32 @!p0 $0x100000, s0;
	[bflag:$0x2] =	sbarrier.arrive $0xFFFF  }
0x4e: {  	[sflag:s0] =	ssyncadd.tile.s32 @!p0 $0x1;
	_ =	shalt  }
.Lfunc_end2:
_tile_overlayer_lowered:
.L_overlay_start_2:
0x4f: {  	(tag) =	ssettag $0x2  }
0x50: {  	s0 =	rddreg [dreg:$0x0];
	s2 =	stileid.u32  }
0x51: {  	s1 =	rddreg [dreg:$0x1];
	p0 =	sne.s32 s2, $0x0  }
0x52: {  	s3 =	rddreg [dreg:$0x2];
	[bflag:$0x3] =	sbarrier.arrive $0xFFFF;
	s2 =	simm.s32 @!p0 $0x1C09  }
0x53: {  	[timem:s3], [sflag:s2] =	dma.local @!p0 [hbm:s0], s1  }
0x54: {  	s0 =	simm.s32 @!p0 $0x9  }
0x55: {  	_ =	swait.ge @!p0 [sflag:s0], s1  }
0x56: {  	s1 =	ssub.s32 @!p0 $0x0, s1;
	[sflag:s0] =	ssyncset.done @!p0 $0x0  }
0x57: {  	[sflag:s0] =	ssyncadd.s32 @!p0 s1  }
0x58: {  	[bflag:$0x3] =	sbarrier.arrive $0xFFFF  }
0x59: {  	_ =	shalt  }

</sc_bundles>
